<compile_context>
chip_gen: v7x
topology: tpu7x:2x2x1
jax: 0.10.2.dev20260603
libtpu: 0.0.44.dev20260713+nightly
codegen_flags: <defaults>
</compile_context>

<pallas_src>
import functools

import jax
import jax.numpy as jnp
from jax import lax
from jax.experimental import pallas as pl
from jax.experimental.pallas import tpu as pltpu
from jax.experimental.pallas import tpu_sc as plsc

N = 10000
E = 320000
D_IN = 128
D_H = 128
D_OUT = 64

NC = 2
NS = 16
NW = NC * NS
EPW = E // NW
K = 80
NCH = EPW // K
KE = 96
EPWP = 10176
NCHE = EPWP // KE
NPAD = 10240
RPT = NPAD // NS

@functools.lru_cache(maxsize=None)
def _sc_kernels():
    mesh = plsc.VectorSubcoreMesh(core_axis_name="c", subcore_axis_name="s")

    @functools.partial(
        pl.kernel,
        mesh=mesh,
        out_type=jax.ShapeDtypeStruct((NC, N), jnp.float32),
        scratch_types=[
            pltpu.VMEM((NCH, K), jnp.int32),
            pltpu.VMEM((K,), jnp.float32),
            pltpu.VMEM_SHARED((N,), jnp.float32),
        ],
    )
    def deg_kernel(row_hbm, zeros_hbm, out_hbm, idx_v, ones_v, acc_sh):
        c = lax.axis_index("c")
        s = lax.axis_index("s")
        wid = c * NS + s
        pltpu.sync_copy(row_hbm.at[wid], idx_v)
        for i in range(K // 16):
            ones_v[pl.ds(i * 16, 16)] = jnp.ones((16,), jnp.float32)

        @pl.when(s == 0)
        def _zero():
            pltpu.sync_copy(zeros_hbm, acc_sh)

        plsc.subcore_barrier()

        def body(j, carry):
            pltpu.sync_copy(ones_v, acc_sh.at[idx_v.at[j]], add=True)
            return carry

        lax.fori_loop(0, NCH, body, 0)
        plsc.subcore_barrier()

        @pl.when(s == 0)
        def _writeback():
            pltpu.sync_copy(acc_sh, out_hbm.at[c])

    @functools.partial(
        pl.kernel,
        mesh=mesh,
        out_type=jax.ShapeDtypeStruct((NC, NPAD, D_H), jnp.float32),
        scratch_types=[
            pltpu.VMEM((EPWP,), jnp.int32),
            pltpu.VMEM((NCHE, KE), jnp.int32),
            pltpu.VMEM((KE, D_H), jnp.float32),
            pltpu.VMEM((KE, D_H), jnp.float32),
            pltpu.VMEM_SHARED((NPAD, D_H), jnp.float32),
            pltpu.SemaphoreType.DMA,
            pltpu.SemaphoreType.DMA,
        ],
    )
    def edge_kernel(g_hbm, col_hbm, row_hbm, zeros_hbm, out_hbm,
                    colv, rowv, buf0, buf1, acc_sh, sem0, sem1):
        c = lax.axis_index("c")
        s = lax.axis_index("s")
        wid = c * NS + s
        pltpu.sync_copy(col_hbm.at[wid], colv)
        pltpu.sync_copy(row_hbm.at[wid], rowv)
        pltpu.sync_copy(zeros_hbm, acc_sh.at[pl.ds(s * RPT, RPT)])
        plsc.subcore_barrier()

        def body(i, carry):
            g = 2 * i
            h0 = pltpu.async_copy(
                g_hbm.at[colv.at[pl.ds(g * KE, KE)]], buf0, sem0)
            h1 = pltpu.async_copy(
                g_hbm.at[colv.at[pl.ds((g + 1) * KE, KE)]], buf1, sem1)
            h0.wait()
            pltpu.sync_copy(buf0, acc_sh.at[rowv.at[g]], add=True)
            h1.wait()
            pltpu.sync_copy(buf1, acc_sh.at[rowv.at[g + 1]], add=True)
            return carry

        lax.fori_loop(0, NCHE // 2, body, 0)
        plsc.subcore_barrier()
        pltpu.sync_copy(acc_sh.at[pl.ds(s * RPT, RPT)],
                        out_hbm.at[c, pl.ds(s * RPT, RPT)])

    return deg_kernel, edge_kernel


BN = 2000


def _tc1_body(x_ref, w_ref, b_ref, d0_ref, d1_ref, g_ref, dinv_ref):
    d = d0_ref[...] + d1_ref[...] + 1.0
    dinv = lax.rsqrt(d)
    dinv_ref[...] = dinv
    h = jnp.dot(x_ref[...], w_ref[...], preferred_element_type=jnp.float32)
    g_ref[...] = (h + b_ref[...]) * dinv


def _tc2_body(p0_ref, p1_ref, g_ref, dinv_ref, w_ref, b_ref, out_ref):
    dinv = dinv_ref[...]
    h = jax.nn.relu((p0_ref[...] + p1_ref[...] + g_ref[...]) * dinv)
    h = jnp.dot(h, w_ref[...], preferred_element_type=jnp.float32)
    out_ref[...] = (h + b_ref[...]) * dinv


def _tc3_body(p0_ref, p1_ref, g_ref, dinv_ref, w1_ref, b1_ref,
              w2_ref, b2_ref, out_ref):
    dinv = dinv_ref[...]
    h = jax.nn.relu((p0_ref[...] + p1_ref[...] + g_ref[...]) * dinv)
    nrm = jnp.maximum(jnp.sqrt(jnp.sum(h * h, axis=1, keepdims=True)), 1e-12)
    h = h / nrm
    h = jnp.dot(h, w1_ref[...], preferred_element_type=jnp.float32) + b1_ref[...]
    z = jnp.dot(h, w2_ref[...], preferred_element_type=jnp.float32) + b2_ref[...]
    m = jnp.max(z, axis=1, keepdims=True)
    zz = z - m
    out_ref[...] = zz - jnp.log(jnp.sum(jnp.exp(zz), axis=1, keepdims=True))


def _row_blk(d):
    return pl.BlockSpec((BN, d), lambda i: (i, 0))


def _full_blk(r, c):
    return pl.BlockSpec((r, c), lambda i: (0, 0))


def kernel(x, edge_index, W1, b1, W2, b2, Wp1, bp1, Wp2, bp2):
    row_deg = edge_index[0].reshape(NW, NCH, K)
    npad_e = EPWP - EPW
    sink = N + ((jnp.arange(npad_e, dtype=jnp.int32)[None, :]
                 + 8 * jnp.arange(NW, dtype=jnp.int32)[:, None])
                % max(npad_e, 1))
    rowp = jnp.concatenate(
        [edge_index[0].reshape(NW, EPW), sink], axis=1)
    dcol = ((jnp.arange(npad_e, dtype=jnp.int32)[None, :] * 97
             + 311 * jnp.arange(NW, dtype=jnp.int32)[:, None]) % N)
    colp = jnp.concatenate(
        [edge_index[1].reshape(NW, EPW), dcol], axis=1)
    rowp = rowp.reshape(NW, NCHE, KE)
    zeros_n = jnp.zeros((N,), jnp.float32)
    zeros_nd = jnp.zeros((RPT, D_H), jnp.float32)
    _deg_kernel, _edge_kernel = _sc_kernels()

    deg_p = _deg_kernel(row_deg, zeros_n)
    d0 = deg_p[0].reshape(N, 1)
    d1 = deg_p[1].reshape(N, 1)

    g1, dinv = pl.pallas_call(
        _tc1_body,
        grid=(N // BN,),
        in_specs=[_row_blk(D_IN), _full_blk(D_IN, D_H), _full_blk(1, D_H),
                  _row_blk(1), _row_blk(1)],
        out_specs=[_row_blk(D_H), _row_blk(1)],
        out_shape=[jax.ShapeDtypeStruct((N, D_H), jnp.float32),
                   jax.ShapeDtypeStruct((N, 1), jnp.float32)],
    )(x, W1, b1.reshape(1, D_H), d0, d1)

    acc1 = _edge_kernel(g1, colp, rowp, zeros_nd)[:, :N, :]

    g2 = pl.pallas_call(
        _tc2_body,
        grid=(N // BN,),
        in_specs=[_row_blk(D_H), _row_blk(D_H), _row_blk(D_H), _row_blk(1),
                  _full_blk(D_H, D_H), _full_blk(1, D_H)],
        out_specs=_row_blk(D_H),
        out_shape=jax.ShapeDtypeStruct((N, D_H), jnp.float32),
    )(acc1[0], acc1[1], g1, dinv, W2, b2.reshape(1, D_H))

    acc2 = _edge_kernel(g2, colp, rowp, zeros_nd)[:, :N, :]

    out = pl.pallas_call(
        _tc3_body,
        grid=(N // BN,),
        in_specs=[_row_blk(D_H), _row_blk(D_H), _row_blk(D_H), _row_blk(1),
                  _full_blk(D_H, D_H), _full_blk(1, D_H),
                  _full_blk(D_H, D_OUT), _full_blk(1, D_OUT)],
        out_specs=_row_blk(D_OUT),
        out_shape=jax.ShapeDtypeStruct((N, D_OUT), jnp.float32),
    )(acc2[0], acc2[1], g2, dinv, Wp1, bp1.reshape(1, D_H),
      Wp2, bp2.reshape(1, D_OUT))

    return out

# --- scband reference (transcript-rebuilt; emitter-appended) ---
"""Pipeline reference for scband-rex-gcnconv-49357764165686 (READ-ONLY COPY).

The authoritative reference and input builder live on the scoring server;
editing this copy changes nothing except your own understanding.
"""

import jax, jax.numpy as jnp
import numpy as np

N = 10000
E = 320000
D_IN = 128
D_H = 128
D_OUT = 64


def _glorot(key, shape):
    fan_in, fan_out = shape[0], shape[1]
    lim = (6.0 / (fan_in + fan_out)) ** 0.5
    return jax.random.uniform(key, shape, dtype=jnp.float32, minval=-lim, maxval=lim)


def setup_inputs(seed: int = 0):
    key = jax.random.key(seed)
    ks = jax.random.split(key, 10)
    x = jax.random.normal(ks[0], (N, D_IN), dtype=jnp.float32)
    edge_index = jax.random.randint(ks[1], (2, E), 0, N, dtype=jnp.int32)
    W1 = _glorot(ks[2], (D_IN, D_H))
    b1 = jnp.zeros((D_H,), dtype=jnp.float32)
    W2 = _glorot(ks[3], (D_H, D_H))
    b2 = jnp.zeros((D_H,), dtype=jnp.float32)
    Wp1 = _glorot(ks[4], (D_H, D_H))
    bp1 = jnp.zeros((D_H,), dtype=jnp.float32)
    Wp2 = _glorot(ks[5], (D_H, D_OUT))
    bp2 = jnp.zeros((D_OUT,), dtype=jnp.float32)
    return {"x": x, "edge_index": edge_index, "W1": W1, "b1": b1, "W2": W2, "b2": b2, "Wp1": Wp1, "bp1": bp1, "Wp2": Wp2, "bp2": bp2}


def _norm_adj(edge_index, num_nodes):
    # add self loops, then symmetric normalization D^-1/2 A D^-1/2
    sl = jnp.arange(num_nodes, dtype=edge_index.dtype)
    row = jnp.concatenate([edge_index[0], sl])
    col = jnp.concatenate([edge_index[1], sl])
    ones = jnp.ones(row.shape[0], dtype=jnp.float32)
    degs = jax.ops.segment_sum(ones, row, num_segments=num_nodes)
    degs_inv = jnp.where(degs > 0, degs ** -0.5, 0.0)
    vals = degs_inv[row] * degs_inv[col]
    return row, col, vals


def _spmm(row, col, vals, h, num_nodes):
    # out[row] += vals * h[col]  (sparse adj @ dense h)
    gathered = vals[:, None] * jnp.take(h, col, axis=0)
    return jax.ops.segment_sum(gathered, row, num_segments=num_nodes)


def reference(x, edge_index, W1, b1, W2, b2, Wp1, bp1, Wp2, bp2):
    num_nodes = x.shape[0]
    row, col, vals = _norm_adj(edge_index, num_nodes)
    # layer 1: linear -> spmm -> relu (dropout=0.0)
    h = x @ W1 + b1
    h = jax.nn.relu(_spmm(row, col, vals, h, num_nodes))
    # layer 2
    h = h @ W2 + b2
    h = jax.nn.relu(_spmm(row, col, vals, h, num_nodes))
    # F.normalize(p=2, dim=1) with eps=1e-12
    norm = jnp.maximum(jnp.linalg.norm(h, axis=1, keepdims=True), 1e-12)
    h = h / norm
    # post_mp: Linear -> Dropout(0) -> Linear
    h = h @ Wp1 + bp1
    h = h @ Wp2 + bp2
    return jax.nn.log_softmax(h, axis=1)

if __name__ == "__main__":
    import jax
    _d = setup_inputs()
    print(jax.jit(kernel)(*tuple(_d.values())))

</pallas_src>

<mosaic_0001>
#map = affine_map<(d0, d1) -> (0, 0, 0)>
#map1 = affine_map<(d0, d1) -> (0)>
#map2 = affine_map<(d0, d1) -> (0, 0)>
module attributes {stable_mosaic.version = 14 : i64} {
  func.func @deg_kernel(%arg0: i32, %arg1: i32, %arg2: memref<32x125x80xi32, #tpu.memory_space<hbm>>, %arg3: memref<10000xf32, #tpu.memory_space<hbm>>, %arg4: memref<2x10000xf32, #tpu.memory_space<hbm>>, %arg5: memref<125x80xi32, #tpu.memory_space<vmem>>, %arg6: memref<80xf32, #tpu.memory_space<vmem>>, %arg7: memref<10000xf32, #tpu.memory_space<vmem_shared>>) attributes {dimension_semantics = [#tpu.dimension_semantics<core_parallel>, #tpu.dimension_semantics<subcore_parallel>], iteration_bounds = array<i64: 2, 16>, scalar_prefetch = 0 : i64, scratch_operands = 3 : i64, tpu.core_type = #tpu.core_type<sc_vector_subcore>, window_params = [{transform_indices = #map}, {transform_indices = #map1}, {transform_indices = #map2}]} {
    %mul3A = arith.constant 16 : i32
    %mul3A_0 = arith.muli %arg0, %mul3A : i32
    %add3A = arith.addi %mul3A_0, %arg1 : i32
    "tpu.region"() ({
      %run_scoped3A = tpu.sem_alloc : memref<!tpu.dma_semaphore, #tpu.memory_space<semaphore_mem>>
      %dma_start3A = arith.constant 0 : i32
      %dma_start3A_42 = arith.constant 0 : i32
      %dma_start3A_43 = tpu.memref_slice %arg2[%add3A, %dma_start3A, %dma_start3A_42] : memref<32x125x80xi32, #tpu.memory_space<hbm>> -> memref<1x125x80xi32, #tpu.memory_space<hbm>>
      %dma_start3A_44 = tpu.memref_squeeze %dma_start3A_43 : memref<1x125x80xi32, #tpu.memory_space<hbm>> -> memref<125x80xi32, #tpu.memory_space<hbm>>
      %dma_start3A_45 = arith.constant 0 : i32
      %dma_start3A_46 = arith.constant 0 : i32
      %dma_start3A_47 = tpu.memref_slice %arg2[%add3A, %dma_start3A_45, %dma_start3A_46] : memref<32x125x80xi32, #tpu.memory_space<hbm>> -> memref<1x125x80xi32, #tpu.memory_space<hbm>>
      %dma_start3A_48 = tpu.memref_squeeze %dma_start3A_47 : memref<1x125x80xi32, #tpu.memory_space<hbm>> -> memref<125x80xi32, #tpu.memory_space<hbm>>
      tpu.enqueue_dma source(%dma_start3A_48 : memref<125x80xi32, #tpu.memory_space<hbm>>) target(%arg5 : memref<125x80xi32, #tpu.memory_space<vmem>>) target_semaphore(%run_scoped3A : memref<!tpu.dma_semaphore, #tpu.memory_space<semaphore_mem>>)
      %dma_wait3A = arith.constant 0 : i32
      %dma_wait3A_49 = arith.constant 0 : i32
      %dma_wait3A_50 = tpu.memref_slice %arg2[%add3A, %dma_wait3A, %dma_wait3A_49] : memref<32x125x80xi32, #tpu.memory_space<hbm>> -> memref<1x125x80xi32, #tpu.memory_space<hbm>>
      %dma_wait3A_51 = tpu.memref_squeeze %dma_wait3A_50 : memref<1x125x80xi32, #tpu.memory_space<hbm>> -> memref<125x80xi32, #tpu.memory_space<hbm>>
      %dma_wait3A_52 = arith.constant 0 : i32
      %dma_wait3A_53 = arith.constant 0 : i32
      %dma_wait3A_54 = tpu.memref_slice %arg2[%add3A, %dma_wait3A_52, %dma_wait3A_53] : memref<32x125x80xi32, #tpu.memory_space<hbm>> -> memref<1x125x80xi32, #tpu.memory_space<hbm>>
      %dma_wait3A_55 = tpu.memref_squeeze %dma_wait3A_54 : memref<1x125x80xi32, #tpu.memory_space<hbm>> -> memref<125x80xi32, #tpu.memory_space<hbm>>
      tpu.wait_dma2 semaphore(%run_scoped3A : memref<!tpu.dma_semaphore, #tpu.memory_space<semaphore_mem>>) src(%dma_wait3A_55 : memref<125x80xi32, #tpu.memory_space<hbm>>) dst(%arg5 : memref<125x80xi32, #tpu.memory_space<vmem>>)
      tpu.yield
    }) : () -> ()
    %broadcast_in_dim3A = arith.constant 1.000000e+00 : f32
    %broadcast_in_dim3A_1 = vector.broadcast %broadcast_in_dim3A : f32 to vector<16xf32>
    %swap3A = arith.constant 0 : index
    %swap3A_2 = tpu.vector_load %arg6[%swap3A] {strides = array<i32>} : memref<80xf32, #tpu.memory_space<vmem>>, vector<16xf32>,
    %swap3A_3 = vector.shape_cast %swap3A_2 : vector<16xf32> to vector<16xf32>
    %swap3A_4 = vector.shape_cast %broadcast_in_dim3A_1 : vector<16xf32> to vector<16xf32>
    tpu.vector_store %arg6[%swap3A], %swap3A_4 {strides = array<i32>} : memref<80xf32, #tpu.memory_space<vmem>>, vector<16xf32>,
    %broadcast_in_dim3A_5 = arith.constant 1.000000e+00 : f32
    %broadcast_in_dim3A_6 = vector.broadcast %broadcast_in_dim3A_5 : f32 to vector<16xf32>
    %swap3A_7 = arith.constant 16 : index
    %swap3A_8 = tpu.vector_load %arg6[%swap3A_7] {strides = array<i32>} : memref<80xf32, #tpu.memory_space<vmem>>, vector<16xf32>,
    %swap3A_9 = vector.shape_cast %swap3A_8 : vector<16xf32> to vector<16xf32>
    %swap3A_10 = vector.shape_cast %broadcast_in_dim3A_6 : vector<16xf32> to vector<16xf32>
    tpu.vector_store %arg6[%swap3A_7], %swap3A_10 {strides = array<i32>} : memref<80xf32, #tpu.memory_space<vmem>>, vector<16xf32>,
    %broadcast_in_dim3A_11 = arith.constant 1.000000e+00 : f32
    %broadcast_in_dim3A_12 = vector.broadcast %broadcast_in_dim3A_11 : f32 to vector<16xf32>
    %swap3A_13 = arith.constant 32 : index
    %swap3A_14 = tpu.vector_load %arg6[%swap3A_13] {strides = array<i32>} : memref<80xf32, #tpu.memory_space<vmem>>, vector<16xf32>,
    %swap3A_15 = vector.shape_cast %swap3A_14 : vector<16xf32> to vector<16xf32>
    %swap3A_16 = vector.shape_cast %broadcast_in_dim3A_12 : vector<16xf32> to vector<16xf32>
    tpu.vector_store %arg6[%swap3A_13], %swap3A_16 {strides = array<i32>} : memref<80xf32, #tpu.memory_space<vmem>>, vector<16xf32>,
    %broadcast_in_dim3A_17 = arith.constant 1.000000e+00 : f32
    %broadcast_in_dim3A_18 = vector.broadcast %broadcast_in_dim3A_17 : f32 to vector<16xf32>
    %swap3A_19 = arith.constant 48 : index
    %swap3A_20 = tpu.vector_load %arg6[%swap3A_19] {strides = array<i32>} : memref<80xf32, #tpu.memory_space<vmem>>, vector<16xf32>,
    %swap3A_21 = vector.shape_cast %swap3A_20 : vector<16xf32> to vector<16xf32>
    %swap3A_22 = vector.shape_cast %broadcast_in_dim3A_18 : vector<16xf32> to vector<16xf32>
    tpu.vector_store %arg6[%swap3A_19], %swap3A_22 {strides = array<i32>} : memref<80xf32, #tpu.memory_space<vmem>>, vector<16xf32>,
    %broadcast_in_dim3A_23 = arith.constant 1.000000e+00 : f32
    %broadcast_in_dim3A_24 = vector.broadcast %broadcast_in_dim3A_23 : f32 to vector<16xf32>
    %swap3A_25 = arith.constant 64 : index
    %swap3A_26 = tpu.vector_load %arg6[%swap3A_25] {strides = array<i32>} : memref<80xf32, #tpu.memory_space<vmem>>, vector<16xf32>,
    %swap3A_27 = vector.shape_cast %swap3A_26 : vector<16xf32> to vector<16xf32>
    %swap3A_28 = vector.shape_cast %broadcast_in_dim3A_24 : vector<16xf32> to vector<16xf32>
    tpu.vector_store %arg6[%swap3A_25], %swap3A_28 {strides = array<i32>} : memref<80xf32, #tpu.memory_space<vmem>>, vector<16xf32>,
    %eq3A = arith.constant 0 : i32
    %eq3A_29 = arith.cmpi eq, %arg1, %eq3A : i32
    %convert_element_type3A = arith.extui %eq3A_29 : i1 to i32
    %cond3A = arith.constant 0 : i32
    %cond3A_30 = arith.cmpi ne, %convert_element_type3A, %cond3A : i32
    scf.if %cond3A_30 {
      "tpu.region"() ({
        %run_scoped3A = tpu.sem_alloc : memref<!tpu.dma_semaphore, #tpu.memory_space<semaphore_mem>>
        tpu.enqueue_dma source(%arg3 : memref<10000xf32, #tpu.memory_space<hbm>>) target(%arg7 : memref<10000xf32, #tpu.memory_space<vmem_shared>>) target_semaphore(%run_scoped3A : memref<!tpu.dma_semaphore, #tpu.memory_space<semaphore_mem>>)
        tpu.wait_dma2 semaphore(%run_scoped3A : memref<!tpu.dma_semaphore, #tpu.memory_space<semaphore_mem>>) src(%arg3 : memref<10000xf32, #tpu.memory_space<hbm>>) dst(%arg7 : memref<10000xf32, #tpu.memory_space<vmem_shared>>)
        tpu.yield
      }) : () -> ()
    } else {
    }
    %barrier3A = arith.constant 0 : index
    tpu.barrier barrier_id(%barrier3A)
    %scan3A = arith.constant 0 : i32
    %scan3A_31 = arith.constant 0 : i32
    %scan3A_32 = arith.constant 125 : i32
    %scan3A_33 = arith.addi %scan3A_31, %scan3A_32 : i32
    %scan3A_34 = arith.constant 1 : i32
    scf.for %scan3A_42 = %scan3A_31 to %scan3A_33 step %scan3A_34  : i32 {
      "tpu.region"() ({
        %run_scoped3A = tpu.sem_alloc : memref<!tpu.dma_semaphore, #tpu.memory_space<semaphore_mem>>
        %dma_start3A = arith.constant 0 : i32
        %dma_start3A_43 = tpu.memref_slice %arg5[%scan3A_42, %dma_start3A] : memref<125x80xi32, #tpu.memory_space<vmem>> -> memref<1x80xi32, #tpu.memory_space<vmem>>
        %dma_start3A_44 = tpu.memref_squeeze %dma_start3A_43 : memref<1x80xi32, #tpu.memory_space<vmem>> -> memref<80xi32, #tpu.memory_space<vmem>>
        %dma_start3A_45 = arith.constant 0 : i32
        %dma_start3A_46 = tpu.memref_slice %arg7[%dma_start3A_45] : memref<10000xf32, #tpu.memory_space<vmem_shared>> -> memref<10000xf32, #tpu.memory_space<vmem_shared>>
        tpu.enqueue_indirect_dma source(%arg6 : memref<80xf32, #tpu.memory_space<vmem>>) target(%dma_start3A_46 : memref<10000xf32, #tpu.memory_space<vmem_shared>>) offsets(%dma_start3A_44 : memref<80xi32, #tpu.memory_space<vmem>>) semaphore(%run_scoped3A : memref<!tpu.dma_semaphore, #tpu.memory_space<semaphore_mem>>) {add = true}
        %dma_wait3A = arith.constant 0 : i32
        %dma_wait3A_47 = tpu.memref_slice %arg5[%scan3A_42, %dma_wait3A] : memref<125x80xi32, #tpu.memory_space<vmem>> -> memref<1x80xi32, #tpu.memory_space<vmem>>
        %dma_wait3A_48 = tpu.memref_squeeze %dma_wait3A_47 : memref<1x80xi32, #tpu.memory_space<vmem>> -> memref<80xi32, #tpu.memory_space<vmem>>
        %dma_wait3A_49 = arith.constant 0 : i32
        %dma_wait3A_50 = tpu.memref_slice %arg7[%dma_wait3A_49] : memref<10000xf32, #tpu.memory_space<vmem_shared>> -> memref<10000xf32, #tpu.memory_space<vmem_shared>>
        tpu.wait_indirect_dma semaphore(%run_scoped3A : memref<!tpu.dma_semaphore, #tpu.memory_space<semaphore_mem>>) src(%arg6 : memref<80xf32, #tpu.memory_space<vmem>>) dst(%dma_wait3A_50 : memref<10000xf32, #tpu.memory_space<vmem_shared>>)
        tpu.yield
      }) : () -> ()
    }
    %scan3A_35 = arith.constant 125 : i32
    %barrier3A_36 = arith.constant 0 : index
    tpu.barrier barrier_id(%barrier3A_36)
    %eq3A_37 = arith.constant 0 : i32
    %eq3A_38 = arith.cmpi eq, %arg1, %eq3A_37 : i32
    %convert_element_type3A_39 = arith.extui %eq3A_38 : i1 to i32
    %cond3A_40 = arith.constant 0 : i32
    %cond3A_41 = arith.cmpi ne, %convert_element_type3A_39, %cond3A_40 : i32
    scf.if %cond3A_41 {
      "tpu.region"() ({
        %run_scoped3A = tpu.sem_alloc : memref<!tpu.dma_semaphore, #tpu.memory_space<semaphore_mem>>
        %dma_start3A = arith.constant 0 : i32
        %dma_start3A_42 = tpu.memref_slice %arg4[%arg0, %dma_start3A] : memref<2x10000xf32, #tpu.memory_space<hbm>> -> memref<1x10000xf32, #tpu.memory_space<hbm>>
        %dma_start3A_43 = tpu.memref_squeeze %dma_start3A_42 : memref<1x10000xf32, #tpu.memory_space<hbm>> -> memref<10000xf32, #tpu.memory_space<hbm>>
        tpu.enqueue_dma source(%arg7 : memref<10000xf32, #tpu.memory_space<vmem_shared>>) target(%dma_start3A_43 : memref<10000xf32, #tpu.memory_space<hbm>>) target_semaphore(%run_scoped3A : memref<!tpu.dma_semaphore, #tpu.memory_space<semaphore_mem>>)
        %dma_wait3A = arith.constant 0 : i32
        %dma_wait3A_44 = tpu.memref_slice %arg4[%arg0, %dma_wait3A] : memref<2x10000xf32, #tpu.memory_space<hbm>> -> memref<1x10000xf32, #tpu.memory_space<hbm>>
        %dma_wait3A_45 = tpu.memref_squeeze %dma_wait3A_44 : memref<1x10000xf32, #tpu.memory_space<hbm>> -> memref<10000xf32, #tpu.memory_space<hbm>>
        tpu.wait_dma2 semaphore(%run_scoped3A : memref<!tpu.dma_semaphore, #tpu.memory_space<semaphore_mem>>) src(%arg7 : memref<10000xf32, #tpu.memory_space<vmem_shared>>) dst(%dma_wait3A_45 : memref<10000xf32, #tpu.memory_space<hbm>>)
        tpu.yield
      }) : () -> ()
    } else {
    }
    return
  }
}

#map = affine_map<(d0, d1) -> (0, 0)>
#map1 = affine_map<(d0, d1) -> (0, 0, 0)>
module attributes {stable_mosaic.version = 14 : i64} {
  func.func @edge_kernel(%arg0: i32, %arg1: i32, %arg2: memref<10000x128xf32, #tpu.memory_space<hbm>>, %arg3: memref<32x10176xi32, #tpu.memory_space<hbm>>, %arg4: memref<32x106x96xi32, #tpu.memory_space<hbm>>, %arg5: memref<640x128xf32, #tpu.memory_space<hbm>>, %arg6: memref<2x10240x128xf32, #tpu.memory_space<hbm>>, %arg7: memref<10176xi32, #tpu.memory_space<vmem>>, %arg8: memref<106x96xi32, #tpu.memory_space<vmem>>, %arg9: memref<96x128xf32, #tpu.memory_space<vmem>>, %arg10: memref<96x128xf32, #tpu.memory_space<vmem>>, %arg11: memref<10240x128xf32, #tpu.memory_space<vmem_shared>>, %arg12: memref<!tpu.dma_semaphore, #tpu.memory_space<semaphore_mem>>, %arg13: memref<!tpu.dma_semaphore, #tpu.memory_space<semaphore_mem>>) attributes {dimension_semantics = [#tpu.dimension_semantics<core_parallel>, #tpu.dimension_semantics<subcore_parallel>], iteration_bounds = array<i64: 2, 16>, scalar_prefetch = 0 : i64, scratch_operands = 7 : i64, tpu.core_type = #tpu.core_type<sc_vector_subcore>, window_params = [{transform_indices = #map}, {transform_indices = #map}, {transform_indices = #map1}, {transform_indices = #map}, {transform_indices = #map1}]} {
    %mul3A = arith.constant 16 : i32
    %mul3A_0 = arith.muli %arg0, %mul3A : i32
    %add3A = arith.addi %mul3A_0, %arg1 : i32
    "tpu.region"() ({
      %run_scoped3A = tpu.sem_alloc : memref<!tpu.dma_semaphore, #tpu.memory_space<semaphore_mem>>
      %dma_start3A = arith.constant 0 : i32
      %dma_start3A_13 = tpu.memref_slice %arg3[%add3A, %dma_start3A] : memref<32x10176xi32, #tpu.memory_space<hbm>> -> memref<1x10176xi32, #tpu.memory_space<hbm>>
      %dma_start3A_14 = tpu.memref_squeeze %dma_start3A_13 : memref<1x10176xi32, #tpu.memory_space<hbm>> -> memref<10176xi32, #tpu.memory_space<hbm>>
      %dma_start3A_15 = arith.constant 0 : i32
      %dma_start3A_16 = tpu.memref_slice %arg3[%add3A, %dma_start3A_15] : memref<32x10176xi32, #tpu.memory_space<hbm>> -> memref<1x10176xi32, #tpu.memory_space<hbm>>
      %dma_start3A_17 = tpu.memref_squeeze %dma_start3A_16 : memref<1x10176xi32, #tpu.memory_space<hbm>> -> memref<10176xi32, #tpu.memory_space<hbm>>
      tpu.enqueue_dma source(%dma_start3A_17 : memref<10176xi32, #tpu.memory_space<hbm>>) target(%arg7 : memref<10176xi32, #tpu.memory_space<vmem>>) target_semaphore(%run_scoped3A : memref<!tpu.dma_semaphore, #tpu.memory_space<semaphore_mem>>)
      %dma_wait3A = arith.constant 0 : i32
      %dma_wait3A_18 = tpu.memref_slice %arg3[%add3A, %dma_wait3A] : memref<32x10176xi32, #tpu.memory_space<hbm>> -> memref<1x10176xi32, #tpu.memory_space<hbm>>
      %dma_wait3A_19 = tpu.memref_squeeze %dma_wait3A_18 : memref<1x10176xi32, #tpu.memory_space<hbm>> -> memref<10176xi32, #tpu.memory_space<hbm>>
      %dma_wait3A_20 = arith.constant 0 : i32
      %dma_wait3A_21 = tpu.memref_slice %arg3[%add3A, %dma_wait3A_20] : memref<32x10176xi32, #tpu.memory_space<hbm>> -> memref<1x10176xi32, #tpu.memory_space<hbm>>
      %dma_wait3A_22 = tpu.memref_squeeze %dma_wait3A_21 : memref<1x10176xi32, #tpu.memory_space<hbm>> -> memref<10176xi32, #tpu.memory_space<hbm>>
      tpu.wait_dma2 semaphore(%run_scoped3A : memref<!tpu.dma_semaphore, #tpu.memory_space<semaphore_mem>>) src(%dma_wait3A_22 : memref<10176xi32, #tpu.memory_space<hbm>>) dst(%arg7 : memref<10176xi32, #tpu.memory_space<vmem>>)
      tpu.yield
    }) : () -> ()
    "tpu.region"() ({
      %run_scoped3A = tpu.sem_alloc : memref<!tpu.dma_semaphore, #tpu.memory_space<semaphore_mem>>
      %dma_start3A = arith.constant 0 : i32
      %dma_start3A_13 = arith.constant 0 : i32
      %dma_start3A_14 = tpu.memref_slice %arg4[%add3A, %dma_start3A, %dma_start3A_13] : memref<32x106x96xi32, #tpu.memory_space<hbm>> -> memref<1x106x96xi32, #tpu.memory_space<hbm>>
      %dma_start3A_15 = tpu.memref_squeeze %dma_start3A_14 : memref<1x106x96xi32, #tpu.memory_space<hbm>> -> memref<106x96xi32, #tpu.memory_space<hbm>>
      %dma_start3A_16 = arith.constant 0 : i32
      %dma_start3A_17 = arith.constant 0 : i32
      %dma_start3A_18 = tpu.memref_slice %arg4[%add3A, %dma_start3A_16, %dma_start3A_17] : memref<32x106x96xi32, #tpu.memory_space<hbm>> -> memref<1x106x96xi32, #tpu.memory_space<hbm>>
      %dma_start3A_19 = tpu.memref_squeeze %dma_start3A_18 : memref<1x106x96xi32, #tpu.memory_space<hbm>> -> memref<106x96xi32, #tpu.memory_space<hbm>>
      tpu.enqueue_dma source(%dma_start3A_19 : memref<106x96xi32, #tpu.memory_space<hbm>>) target(%arg8 : memref<106x96xi32, #tpu.memory_space<vmem>>) target_semaphore(%run_scoped3A : memref<!tpu.dma_semaphore, #tpu.memory_space<semaphore_mem>>)
      %dma_wait3A = arith.constant 0 : i32
      %dma_wait3A_20 = arith.constant 0 : i32
      %dma_wait3A_21 = tpu.memref_slice %arg4[%add3A, %dma_wait3A, %dma_wait3A_20] : memref<32x106x96xi32, #tpu.memory_space<hbm>> -> memref<1x106x96xi32, #tpu.memory_space<hbm>>
      %dma_wait3A_22 = tpu.memref_squeeze %dma_wait3A_21 : memref<1x106x96xi32, #tpu.memory_space<hbm>> -> memref<106x96xi32, #tpu.memory_space<hbm>>
      %dma_wait3A_23 = arith.constant 0 : i32
      %dma_wait3A_24 = arith.constant 0 : i32
      %dma_wait3A_25 = tpu.memref_slice %arg4[%add3A, %dma_wait3A_23, %dma_wait3A_24] : memref<32x106x96xi32, #tpu.memory_space<hbm>> -> memref<1x106x96xi32, #tpu.memory_space<hbm>>
      %dma_wait3A_26 = tpu.memref_squeeze %dma_wait3A_25 : memref<1x106x96xi32, #tpu.memory_space<hbm>> -> memref<106x96xi32, #tpu.memory_space<hbm>>
      tpu.wait_dma2 semaphore(%run_scoped3A : memref<!tpu.dma_semaphore, #tpu.memory_space<semaphore_mem>>) src(%dma_wait3A_26 : memref<106x96xi32, #tpu.memory_space<hbm>>) dst(%arg8 : memref<106x96xi32, #tpu.memory_space<vmem>>)
      tpu.yield
    }) : () -> ()
    %mul3A_1 = arith.constant 640 : i32
    %mul3A_2 = arith.muli %arg1, %mul3A_1 : i32
    "tpu.region"() ({
      %run_scoped3A = tpu.sem_alloc : memref<!tpu.dma_semaphore, #tpu.memory_space<semaphore_mem>>
      %dma_start3A = arith.constant 0 : i32
      %dma_start3A_13 = tpu.memref_slice %arg11[%mul3A_2, %dma_start3A] : memref<10240x128xf32, #tpu.memory_space<vmem_shared>> -> memref<640x128xf32, #tpu.memory_space<vmem_shared>>
      tpu.enqueue_dma source(%arg5 : memref<640x128xf32, #tpu.memory_space<hbm>>) target(%dma_start3A_13 : memref<640x128xf32, #tpu.memory_space<vmem_shared>>) target_semaphore(%run_scoped3A : memref<!tpu.dma_semaphore, #tpu.memory_space<semaphore_mem>>)
      %dma_wait3A = arith.constant 0 : i32
      %dma_wait3A_14 = tpu.memref_slice %arg11[%mul3A_2, %dma_wait3A] : memref<10240x128xf32, #tpu.memory_space<vmem_shared>> -> memref<640x128xf32, #tpu.memory_space<vmem_shared>>
      tpu.wait_dma2 semaphore(%run_scoped3A : memref<!tpu.dma_semaphore, #tpu.memory_space<semaphore_mem>>) src(%arg5 : memref<640x128xf32, #tpu.memory_space<hbm>>) dst(%dma_wait3A_14 : memref<640x128xf32, #tpu.memory_space<vmem_shared>>)
      tpu.yield
    }) : () -> ()
    %barrier3A = arith.constant 0 : index
    tpu.barrier barrier_id(%barrier3A)
    %scan3A = arith.constant 0 : i32
    %scan3A_3 = arith.constant 0 : i32
    %scan3A_4 = arith.constant 53 : i32
    %scan3A_5 = arith.addi %scan3A_3, %scan3A_4 : i32
    %scan3A_6 = arith.constant 1 : i32
    scf.for %scan3A_13 = %scan3A_3 to %scan3A_5 step %scan3A_6  : i32 {
      %mul3A_14 = arith.constant 2 : i32
      %mul3A_15 = arith.muli %mul3A_14, %scan3A_13 : i32
      %mul3A_16 = arith.constant 96 : i32
      %mul3A_17 = arith.muli %mul3A_15, %mul3A_16 : i32
      %dma_start3A = tpu.memref_slice %arg7[%mul3A_17] : memref<10176xi32, #tpu.memory_space<vmem>> -> memref<96xi32, #tpu.memory_space<vmem>>
      %dma_start3A_18 = arith.constant 0 : i32
      %dma_start3A_19 = arith.constant 0 : i32
      %dma_start3A_20 = tpu.memref_slice %arg2[%dma_start3A_18, %dma_start3A_19] : memref<10000x128xf32, #tpu.memory_space<hbm>> -> memref<10000x128xf32, #tpu.memory_space<hbm>>
      tpu.enqueue_indirect_dma source(%dma_start3A_20 : memref<10000x128xf32, #tpu.memory_space<hbm>>) target(%arg9 : memref<96x128xf32, #tpu.memory_space<vmem>>) offsets(%dma_start3A : memref<96xi32, #tpu.memory_space<vmem>>) semaphore(%arg12 : memref<!tpu.dma_semaphore, #tpu.memory_space<semaphore_mem>>)
      %add3A_21 = arith.constant 1 : i32
      %add3A_22 = arith.addi %mul3A_15, %add3A_21 : i32
      %mul3A_23 = arith.constant 96 : i32
      %mul3A_24 = arith.muli %add3A_22, %mul3A_23 : i32
      %dma_start3A_25 = tpu.memref_slice %arg7[%mul3A_24] : memref<10176xi32, #tpu.memory_space<vmem>> -> memref<96xi32, #tpu.memory_space<vmem>>
      %dma_start3A_26 = arith.constant 0 : i32
      %dma_start3A_27 = arith.constant 0 : i32
      %dma_start3A_28 = tpu.memref_slice %arg2[%dma_start3A_26, %dma_start3A_27] : memref<10000x128xf32, #tpu.memory_space<hbm>> -> memref<10000x128xf32, #tpu.memory_space<hbm>>
      tpu.enqueue_indirect_dma source(%dma_start3A_28 : memref<10000x128xf32, #tpu.memory_space<hbm>>) target(%arg10 : memref<96x128xf32, #tpu.memory_space<vmem>>) offsets(%dma_start3A_25 : memref<96xi32, #tpu.memory_space<vmem>>) semaphore(%arg13 : memref<!tpu.dma_semaphore, #tpu.memory_space<semaphore_mem>>)
      %dma_wait3A = tpu.memref_slice %arg7[%mul3A_17] : memref<10176xi32, #tpu.memory_space<vmem>> -> memref<96xi32, #tpu.memory_space<vmem>>
      %dma_wait3A_29 = arith.constant 0 : i32
      %dma_wait3A_30 = arith.constant 0 : i32
      %dma_wait3A_31 = tpu.memref_slice %arg2[%dma_wait3A_29, %dma_wait3A_30] : memref<10000x128xf32, #tpu.memory_space<hbm>> -> memref<10000x128xf32, #tpu.memory_space<hbm>>
      tpu.wait_indirect_dma semaphore(%arg12 : memref<!tpu.dma_semaphore, #tpu.memory_space<semaphore_mem>>) src(%dma_wait3A_31 : memref<10000x128xf32, #tpu.memory_space<hbm>>) dst(%arg9 : memref<96x128xf32, #tpu.memory_space<vmem>>)
      "tpu.region"() ({
        %run_scoped3A = tpu.sem_alloc : memref<!tpu.dma_semaphore, #tpu.memory_space<semaphore_mem>>
        %dma_start3A_38 = arith.constant 0 : i32
        %dma_start3A_39 = tpu.memref_slice %arg8[%mul3A_15, %dma_start3A_38] : memref<106x96xi32, #tpu.memory_space<vmem>> -> memref<1x96xi32, #tpu.memory_space<vmem>>
        %dma_start3A_40 = tpu.memref_squeeze %dma_start3A_39 : memref<1x96xi32, #tpu.memory_space<vmem>> -> memref<96xi32, #tpu.memory_space<vmem>>
        %dma_start3A_41 = arith.constant 0 : i32
        %dma_start3A_42 = arith.constant 0 : i32
        %dma_start3A_43 = tpu.memref_slice %arg11[%dma_start3A_41, %dma_start3A_42] : memref<10240x128xf32, #tpu.memory_space<vmem_shared>> -> memref<10240x128xf32, #tpu.memory_space<vmem_shared>>
        tpu.enqueue_indirect_dma source(%arg9 : memref<96x128xf32, #tpu.memory_space<vmem>>) target(%dma_start3A_43 : memref<10240x128xf32, #tpu.memory_space<vmem_shared>>) offsets(%dma_start3A_40 : memref<96xi32, #tpu.memory_space<vmem>>) semaphore(%run_scoped3A : memref<!tpu.dma_semaphore, #tpu.memory_space<semaphore_mem>>) {add = true}
        %dma_wait3A_44 = arith.constant 0 : i32
        %dma_wait3A_45 = tpu.memref_slice %arg8[%mul3A_15, %dma_wait3A_44] : memref<106x96xi32, #tpu.memory_space<vmem>> -> memref<1x96xi32, #tpu.memory_space<vmem>>
        %dma_wait3A_46 = tpu.memref_squeeze %dma_wait3A_45 : memref<1x96xi32, #tpu.memory_space<vmem>> -> memref<96xi32, #tpu.memory_space<vmem>>
        %dma_wait3A_47 = arith.constant 0 : i32
        %dma_wait3A_48 = arith.constant 0 : i32
        %dma_wait3A_49 = tpu.memref_slice %arg11[%dma_wait3A_47, %dma_wait3A_48] : memref<10240x128xf32, #tpu.memory_space<vmem_shared>> -> memref<10240x128xf32, #tpu.memory_space<vmem_shared>>
        tpu.wait_indirect_dma semaphore(%run_scoped3A : memref<!tpu.dma_semaphore, #tpu.memory_space<semaphore_mem>>) src(%arg9 : memref<96x128xf32, #tpu.memory_space<vmem>>) dst(%dma_wait3A_49 : memref<10240x128xf32, #tpu.memory_space<vmem_shared>>)
        tpu.yield
      }) : () -> ()
      %dma_wait3A_32 = tpu.memref_slice %arg7[%mul3A_24] : memref<10176xi32, #tpu.memory_space<vmem>> -> memref<96xi32, #tpu.memory_space<vmem>>
      %dma_wait3A_33 = arith.constant 0 : i32
      %dma_wait3A_34 = arith.constant 0 : i32
      %dma_wait3A_35 = tpu.memref_slice %arg2[%dma_wait3A_33, %dma_wait3A_34] : memref<10000x128xf32, #tpu.memory_space<hbm>> -> memref<10000x128xf32, #tpu.memory_space<hbm>>
      tpu.wait_indirect_dma semaphore(%arg13 : memref<!tpu.dma_semaphore, #tpu.memory_space<semaphore_mem>>) src(%dma_wait3A_35 : memref<10000x128xf32, #tpu.memory_space<hbm>>) dst(%arg10 : memref<96x128xf32, #tpu.memory_space<vmem>>)
      %add3A_36 = arith.constant 1 : i32
      %add3A_37 = arith.addi %mul3A_15, %add3A_36 : i32
      "tpu.region"() ({
        %run_scoped3A = tpu.sem_alloc : memref<!tpu.dma_semaphore, #tpu.memory_space<semaphore_mem>>
        %dma_start3A_38 = arith.constant 0 : i32
        %dma_start3A_39 = tpu.memref_slice %arg8[%add3A_37, %dma_start3A_38] : memref<106x96xi32, #tpu.memory_space<vmem>> -> memref<1x96xi32, #tpu.memory_space<vmem>>
        %dma_start3A_40 = tpu.memref_squeeze %dma_start3A_39 : memref<1x96xi32, #tpu.memory_space<vmem>> -> memref<96xi32, #tpu.memory_space<vmem>>
        %dma_start3A_41 = arith.constant 0 : i32
        %dma_start3A_42 = arith.constant 0 : i32
        %dma_start3A_43 = tpu.memref_slice %arg11[%dma_start3A_41, %dma_start3A_42] : memref<10240x128xf32, #tpu.memory_space<vmem_shared>> -> memref<10240x128xf32, #tpu.memory_space<vmem_shared>>
        tpu.enqueue_indirect_dma source(%arg10 : memref<96x128xf32, #tpu.memory_space<vmem>>) target(%dma_start3A_43 : memref<10240x128xf32, #tpu.memory_space<vmem_shared>>) offsets(%dma_start3A_40 : memref<96xi32, #tpu.memory_space<vmem>>) semaphore(%run_scoped3A : memref<!tpu.dma_semaphore, #tpu.memory_space<semaphore_mem>>) {add = true}
        %dma_wait3A_44 = arith.constant 0 : i32
        %dma_wait3A_45 = tpu.memref_slice %arg8[%add3A_37, %dma_wait3A_44] : memref<106x96xi32, #tpu.memory_space<vmem>> -> memref<1x96xi32, #tpu.memory_space<vmem>>
        %dma_wait3A_46 = tpu.memref_squeeze %dma_wait3A_45 : memref<1x96xi32, #tpu.memory_space<vmem>> -> memref<96xi32, #tpu.memory_space<vmem>>
        %dma_wait3A_47 = arith.constant 0 : i32
        %dma_wait3A_48 = arith.constant 0 : i32
        %dma_wait3A_49 = tpu.memref_slice %arg11[%dma_wait3A_47, %dma_wait3A_48] : memref<10240x128xf32, #tpu.memory_space<vmem_shared>> -> memref<10240x128xf32, #tpu.memory_space<vmem_shared>>
        tpu.wait_indirect_dma semaphore(%run_scoped3A : memref<!tpu.dma_semaphore, #tpu.memory_space<semaphore_mem>>) src(%arg10 : memref<96x128xf32, #tpu.memory_space<vmem>>) dst(%dma_wait3A_49 : memref<10240x128xf32, #tpu.memory_space<vmem_shared>>)
        tpu.yield
      }) : () -> ()
    }
    %scan3A_7 = arith.constant 53 : i32
    %barrier3A_8 = arith.constant 0 : index
    tpu.barrier barrier_id(%barrier3A_8)
    %mul3A_9 = arith.constant 640 : i32
    %mul3A_10 = arith.muli %arg1, %mul3A_9 : i32
    %mul3A_11 = arith.constant 640 : i32
    %mul3A_12 = arith.muli %arg1, %mul3A_11 : i32
    "tpu.region"() ({
      %run_scoped3A = tpu.sem_alloc : memref<!tpu.dma_semaphore, #tpu.memory_space<semaphore_mem>>
      %dma_start3A = arith.constant 0 : i32
      %dma_start3A_13 = tpu.memref_slice %arg6[%arg0, %mul3A_12, %dma_start3A] : memref<2x10240x128xf32, #tpu.memory_space<hbm>> -> memref<1x640x128xf32, #tpu.memory_space<hbm>>
      %dma_start3A_14 = tpu.memref_squeeze %dma_start3A_13 : memref<1x640x128xf32, #tpu.memory_space<hbm>> -> memref<640x128xf32, #tpu.memory_space<hbm>>
      %dma_start3A_15 = arith.constant 0 : i32
      %dma_start3A_16 = tpu.memref_slice %arg11[%mul3A_10, %dma_start3A_15] : memref<10240x128xf32, #tpu.memory_space<vmem_shared>> -> memref<640x128xf32, #tpu.memory_space<vmem_shared>>
      tpu.enqueue_dma source(%dma_start3A_16 : memref<640x128xf32, #tpu.memory_space<vmem_shared>>) target(%dma_start3A_14 : memref<640x128xf32, #tpu.memory_space<hbm>>) target_semaphore(%run_scoped3A : memref<!tpu.dma_semaphore, #tpu.memory_space<semaphore_mem>>)
      %dma_wait3A = arith.constant 0 : i32
      %dma_wait3A_17 = tpu.memref_slice %arg6[%arg0, %mul3A_12, %dma_wait3A] : memref<2x10240x128xf32, #tpu.memory_space<hbm>> -> memref<1x640x128xf32, #tpu.memory_space<hbm>>
      %dma_wait3A_18 = tpu.memref_squeeze %dma_wait3A_17 : memref<1x640x128xf32, #tpu.memory_space<hbm>> -> memref<640x128xf32, #tpu.memory_space<hbm>>
      %dma_wait3A_19 = arith.constant 0 : i32
      %dma_wait3A_20 = tpu.memref_slice %arg11[%mul3A_10, %dma_wait3A_19] : memref<10240x128xf32, #tpu.memory_space<vmem_shared>> -> memref<640x128xf32, #tpu.memory_space<vmem_shared>>
      tpu.wait_dma2 semaphore(%run_scoped3A : memref<!tpu.dma_semaphore, #tpu.memory_space<semaphore_mem>>) src(%dma_wait3A_20 : memref<640x128xf32, #tpu.memory_space<vmem_shared>>) dst(%dma_wait3A_18 : memref<640x128xf32, #tpu.memory_space<hbm>>)
      tpu.yield
    }) : () -> ()
    return
  }
}

#map = affine_map<(d0, d1) -> (0, 0)>
#map1 = affine_map<(d0, d1) -> (0, 0, 0)>
module attributes {stable_mosaic.version = 14 : i64} {
  func.func @edge_kernel(%arg0: i32, %arg1: i32, %arg2: memref<10000x128xf32, #tpu.memory_space<hbm>>, %arg3: memref<32x10176xi32, #tpu.memory_space<hbm>>, %arg4: memref<32x106x96xi32, #tpu.memory_space<hbm>>, %arg5: memref<640x128xf32, #tpu.memory_space<hbm>>, %arg6: memref<2x10240x128xf32, #tpu.memory_space<hbm>>, %arg7: memref<10176xi32, #tpu.memory_space<vmem>>, %arg8: memref<106x96xi32, #tpu.memory_space<vmem>>, %arg9: memref<96x128xf32, #tpu.memory_space<vmem>>, %arg10: memref<96x128xf32, #tpu.memory_space<vmem>>, %arg11: memref<10240x128xf32, #tpu.memory_space<vmem_shared>>, %arg12: memref<!tpu.dma_semaphore, #tpu.memory_space<semaphore_mem>>, %arg13: memref<!tpu.dma_semaphore, #tpu.memory_space<semaphore_mem>>) attributes {dimension_semantics = [#tpu.dimension_semantics<core_parallel>, #tpu.dimension_semantics<subcore_parallel>], iteration_bounds = array<i64: 2, 16>, scalar_prefetch = 0 : i64, scratch_operands = 7 : i64, tpu.core_type = #tpu.core_type<sc_vector_subcore>, window_params = [{transform_indices = #map}, {transform_indices = #map}, {transform_indices = #map1}, {transform_indices = #map}, {transform_indices = #map1}]} {
    %mul3A = arith.constant 16 : i32
    %mul3A_0 = arith.muli %arg0, %mul3A : i32
    %add3A = arith.addi %mul3A_0, %arg1 : i32
    "tpu.region"() ({
      %run_scoped3A = tpu.sem_alloc : memref<!tpu.dma_semaphore, #tpu.memory_space<semaphore_mem>>
      %dma_start3A = arith.constant 0 : i32
      %dma_start3A_13 = tpu.memref_slice %arg3[%add3A, %dma_start3A] : memref<32x10176xi32, #tpu.memory_space<hbm>> -> memref<1x10176xi32, #tpu.memory_space<hbm>>
      %dma_start3A_14 = tpu.memref_squeeze %dma_start3A_13 : memref<1x10176xi32, #tpu.memory_space<hbm>> -> memref<10176xi32, #tpu.memory_space<hbm>>
      %dma_start3A_15 = arith.constant 0 : i32
      %dma_start3A_16 = tpu.memref_slice %arg3[%add3A, %dma_start3A_15] : memref<32x10176xi32, #tpu.memory_space<hbm>> -> memref<1x10176xi32, #tpu.memory_space<hbm>>
      %dma_start3A_17 = tpu.memref_squeeze %dma_start3A_16 : memref<1x10176xi32, #tpu.memory_space<hbm>> -> memref<10176xi32, #tpu.memory_space<hbm>>
      tpu.enqueue_dma source(%dma_start3A_17 : memref<10176xi32, #tpu.memory_space<hbm>>) target(%arg7 : memref<10176xi32, #tpu.memory_space<vmem>>) target_semaphore(%run_scoped3A : memref<!tpu.dma_semaphore, #tpu.memory_space<semaphore_mem>>)
      %dma_wait3A = arith.constant 0 : i32
      %dma_wait3A_18 = tpu.memref_slice %arg3[%add3A, %dma_wait3A] : memref<32x10176xi32, #tpu.memory_space<hbm>> -> memref<1x10176xi32, #tpu.memory_space<hbm>>
      %dma_wait3A_19 = tpu.memref_squeeze %dma_wait3A_18 : memref<1x10176xi32, #tpu.memory_space<hbm>> -> memref<10176xi32, #tpu.memory_space<hbm>>
      %dma_wait3A_20 = arith.constant 0 : i32
      %dma_wait3A_21 = tpu.memref_slice %arg3[%add3A, %dma_wait3A_20] : memref<32x10176xi32, #tpu.memory_space<hbm>> -> memref<1x10176xi32, #tpu.memory_space<hbm>>
      %dma_wait3A_22 = tpu.memref_squeeze %dma_wait3A_21 : memref<1x10176xi32, #tpu.memory_space<hbm>> -> memref<10176xi32, #tpu.memory_space<hbm>>
      tpu.wait_dma2 semaphore(%run_scoped3A : memref<!tpu.dma_semaphore, #tpu.memory_space<semaphore_mem>>) src(%dma_wait3A_22 : memref<10176xi32, #tpu.memory_space<hbm>>) dst(%arg7 : memref<10176xi32, #tpu.memory_space<vmem>>)
      tpu.yield
    }) : () -> ()
    "tpu.region"() ({
      %run_scoped3A = tpu.sem_alloc : memref<!tpu.dma_semaphore, #tpu.memory_space<semaphore_mem>>
      %dma_start3A = arith.constant 0 : i32
      %dma_start3A_13 = arith.constant 0 : i32
      %dma_start3A_14 = tpu.memref_slice %arg4[%add3A, %dma_start3A, %dma_start3A_13] : memref<32x106x96xi32, #tpu.memory_space<hbm>> -> memref<1x106x96xi32, #tpu.memory_space<hbm>>
      %dma_start3A_15 = tpu.memref_squeeze %dma_start3A_14 : memref<1x106x96xi32, #tpu.memory_space<hbm>> -> memref<106x96xi32, #tpu.memory_space<hbm>>
      %dma_start3A_16 = arith.constant 0 : i32
      %dma_start3A_17 = arith.constant 0 : i32
      %dma_start3A_18 = tpu.memref_slice %arg4[%add3A, %dma_start3A_16, %dma_start3A_17] : memref<32x106x96xi32, #tpu.memory_space<hbm>> -> memref<1x106x96xi32, #tpu.memory_space<hbm>>
      %dma_start3A_19 = tpu.memref_squeeze %dma_start3A_18 : memref<1x106x96xi32, #tpu.memory_space<hbm>> -> memref<106x96xi32, #tpu.memory_space<hbm>>
      tpu.enqueue_dma source(%dma_start3A_19 : memref<106x96xi32, #tpu.memory_space<hbm>>) target(%arg8 : memref<106x96xi32, #tpu.memory_space<vmem>>) target_semaphore(%run_scoped3A : memref<!tpu.dma_semaphore, #tpu.memory_space<semaphore_mem>>)
      %dma_wait3A = arith.constant 0 : i32
      %dma_wait3A_20 = arith.constant 0 : i32
      %dma_wait3A_21 = tpu.memref_slice %arg4[%add3A, %dma_wait3A, %dma_wait3A_20] : memref<32x106x96xi32, #tpu.memory_space<hbm>> -> memref<1x106x96xi32, #tpu.memory_space<hbm>>
      %dma_wait3A_22 = tpu.memref_squeeze %dma_wait3A_21 : memref<1x106x96xi32, #tpu.memory_space<hbm>> -> memref<106x96xi32, #tpu.memory_space<hbm>>
      %dma_wait3A_23 = arith.constant 0 : i32
      %dma_wait3A_24 = arith.constant 0 : i32
      %dma_wait3A_25 = tpu.memref_slice %arg4[%add3A, %dma_wait3A_23, %dma_wait3A_24] : memref<32x106x96xi32, #tpu.memory_space<hbm>> -> memref<1x106x96xi32, #tpu.memory_space<hbm>>
      %dma_wait3A_26 = tpu.memref_squeeze %dma_wait3A_25 : memref<1x106x96xi32, #tpu.memory_space<hbm>> -> memref<106x96xi32, #tpu.memory_space<hbm>>
      tpu.wait_dma2 semaphore(%run_scoped3A : memref<!tpu.dma_semaphore, #tpu.memory_space<semaphore_mem>>) src(%dma_wait3A_26 : memref<106x96xi32, #tpu.memory_space<hbm>>) dst(%arg8 : memref<106x96xi32, #tpu.memory_space<vmem>>)
      tpu.yield
    }) : () -> ()
    %mul3A_1 = arith.constant 640 : i32
    %mul3A_2 = arith.muli %arg1, %mul3A_1 : i32
    "tpu.region"() ({
      %run_scoped3A = tpu.sem_alloc : memref<!tpu.dma_semaphore, #tpu.memory_space<semaphore_mem>>
      %dma_start3A = arith.constant 0 : i32
      %dma_start3A_13 = tpu.memref_slice %arg11[%mul3A_2, %dma_start3A] : memref<10240x128xf32, #tpu.memory_space<vmem_shared>> -> memref<640x128xf32, #tpu.memory_space<vmem_shared>>
      tpu.enqueue_dma source(%arg5 : memref<640x128xf32, #tpu.memory_space<hbm>>) target(%dma_start3A_13 : memref<640x128xf32, #tpu.memory_space<vmem_shared>>) target_semaphore(%run_scoped3A : memref<!tpu.dma_semaphore, #tpu.memory_space<semaphore_mem>>)
      %dma_wait3A = arith.constant 0 : i32
      %dma_wait3A_14 = tpu.memref_slice %arg11[%mul3A_2, %dma_wait3A] : memref<10240x128xf32, #tpu.memory_space<vmem_shared>> -> memref<640x128xf32, #tpu.memory_space<vmem_shared>>
      tpu.wait_dma2 semaphore(%run_scoped3A : memref<!tpu.dma_semaphore, #tpu.memory_space<semaphore_mem>>) src(%arg5 : memref<640x128xf32, #tpu.memory_space<hbm>>) dst(%dma_wait3A_14 : memref<640x128xf32, #tpu.memory_space<vmem_shared>>)
      tpu.yield
    }) : () -> ()
    %barrier3A = arith.constant 0 : index
    tpu.barrier barrier_id(%barrier3A)
    %scan3A = arith.constant 0 : i32
    %scan3A_3 = arith.constant 0 : i32
    %scan3A_4 = arith.constant 53 : i32
    %scan3A_5 = arith.addi %scan3A_3, %scan3A_4 : i32
    %scan3A_6 = arith.constant 1 : i32
    scf.for %scan3A_13 = %scan3A_3 to %scan3A_5 step %scan3A_6  : i32 {
      %mul3A_14 = arith.constant 2 : i32
      %mul3A_15 = arith.muli %mul3A_14, %scan3A_13 : i32
      %mul3A_16 = arith.constant 96 : i32
      %mul3A_17 = arith.muli %mul3A_15, %mul3A_16 : i32
      %dma_start3A = tpu.memref_slice %arg7[%mul3A_17] : memref<10176xi32, #tpu.memory_space<vmem>> -> memref<96xi32, #tpu.memory_space<vmem>>
      %dma_start3A_18 = arith.constant 0 : i32
      %dma_start3A_19 = arith.constant 0 : i32
      %dma_start3A_20 = tpu.memref_slice %arg2[%dma_start3A_18, %dma_start3A_19] : memref<10000x128xf32, #tpu.memory_space<hbm>> -> memref<10000x128xf32, #tpu.memory_space<hbm>>
      tpu.enqueue_indirect_dma source(%dma_start3A_20 : memref<10000x128xf32, #tpu.memory_space<hbm>>) target(%arg9 : memref<96x128xf32, #tpu.memory_space<vmem>>) offsets(%dma_start3A : memref<96xi32, #tpu.memory_space<vmem>>) semaphore(%arg12 : memref<!tpu.dma_semaphore, #tpu.memory_space<semaphore_mem>>)
      %add3A_21 = arith.constant 1 : i32
      %add3A_22 = arith.addi %mul3A_15, %add3A_21 : i32
      %mul3A_23 = arith.constant 96 : i32
      %mul3A_24 = arith.muli %add3A_22, %mul3A_23 : i32
      %dma_start3A_25 = tpu.memref_slice %arg7[%mul3A_24] : memref<10176xi32, #tpu.memory_space<vmem>> -> memref<96xi32, #tpu.memory_space<vmem>>
      %dma_start3A_26 = arith.constant 0 : i32
      %dma_start3A_27 = arith.constant 0 : i32
      %dma_start3A_28 = tpu.memref_slice %arg2[%dma_start3A_26, %dma_start3A_27] : memref<10000x128xf32, #tpu.memory_space<hbm>> -> memref<10000x128xf32, #tpu.memory_space<hbm>>
      tpu.enqueue_indirect_dma source(%dma_start3A_28 : memref<10000x128xf32, #tpu.memory_space<hbm>>) target(%arg10 : memref<96x128xf32, #tpu.memory_space<vmem>>) offsets(%dma_start3A_25 : memref<96xi32, #tpu.memory_space<vmem>>) semaphore(%arg13 : memref<!tpu.dma_semaphore, #tpu.memory_space<semaphore_mem>>)
      %dma_wait3A = tpu.memref_slice %arg7[%mul3A_17] : memref<10176xi32, #tpu.memory_space<vmem>> -> memref<96xi32, #tpu.memory_space<vmem>>
      %dma_wait3A_29 = arith.constant 0 : i32
      %dma_wait3A_30 = arith.constant 0 : i32
      %dma_wait3A_31 = tpu.memref_slice %arg2[%dma_wait3A_29, %dma_wait3A_30] : memref<10000x128xf32, #tpu.memory_space<hbm>> -> memref<10000x128xf32, #tpu.memory_space<hbm>>
      tpu.wait_indirect_dma semaphore(%arg12 : memref<!tpu.dma_semaphore, #tpu.memory_space<semaphore_mem>>) src(%dma_wait3A_31 : memref<10000x128xf32, #tpu.memory_space<hbm>>) dst(%arg9 : memref<96x128xf32, #tpu.memory_space<vmem>>)
      "tpu.region"() ({
        %run_scoped3A = tpu.sem_alloc : memref<!tpu.dma_semaphore, #tpu.memory_space<semaphore_mem>>
        %dma_start3A_38 = arith.constant 0 : i32
        %dma_start3A_39 = tpu.memref_slice %arg8[%mul3A_15, %dma_start3A_38] : memref<106x96xi32, #tpu.memory_space<vmem>> -> memref<1x96xi32, #tpu.memory_space<vmem>>
        %dma_start3A_40 = tpu.memref_squeeze %dma_start3A_39 : memref<1x96xi32, #tpu.memory_space<vmem>> -> memref<96xi32, #tpu.memory_space<vmem>>
        %dma_start3A_41 = arith.constant 0 : i32
        %dma_start3A_42 = arith.constant 0 : i32
        %dma_start3A_43 = tpu.memref_slice %arg11[%dma_start3A_41, %dma_start3A_42] : memref<10240x128xf32, #tpu.memory_space<vmem_shared>> -> memref<10240x128xf32, #tpu.memory_space<vmem_shared>>
        tpu.enqueue_indirect_dma source(%arg9 : memref<96x128xf32, #tpu.memory_space<vmem>>) target(%dma_start3A_43 : memref<10240x128xf32, #tpu.memory_space<vmem_shared>>) offsets(%dma_start3A_40 : memref<96xi32, #tpu.memory_space<vmem>>) semaphore(%run_scoped3A : memref<!tpu.dma_semaphore, #tpu.memory_space<semaphore_mem>>) {add = true}
        %dma_wait3A_44 = arith.constant 0 : i32
        %dma_wait3A_45 = tpu.memref_slice %arg8[%mul3A_15, %dma_wait3A_44] : memref<106x96xi32, #tpu.memory_space<vmem>> -> memref<1x96xi32, #tpu.memory_space<vmem>>
        %dma_wait3A_46 = tpu.memref_squeeze %dma_wait3A_45 : memref<1x96xi32, #tpu.memory_space<vmem>> -> memref<96xi32, #tpu.memory_space<vmem>>
        %dma_wait3A_47 = arith.constant 0 : i32
        %dma_wait3A_48 = arith.constant 0 : i32
        %dma_wait3A_49 = tpu.memref_slice %arg11[%dma_wait3A_47, %dma_wait3A_48] : memref<10240x128xf32, #tpu.memory_space<vmem_shared>> -> memref<10240x128xf32, #tpu.memory_space<vmem_shared>>
        tpu.wait_indirect_dma semaphore(%run_scoped3A : memref<!tpu.dma_semaphore, #tpu.memory_space<semaphore_mem>>) src(%arg9 : memref<96x128xf32, #tpu.memory_space<vmem>>) dst(%dma_wait3A_49 : memref<10240x128xf32, #tpu.memory_space<vmem_shared>>)
        tpu.yield
      }) : () -> ()
      %dma_wait3A_32 = tpu.memref_slice %arg7[%mul3A_24] : memref<10176xi32, #tpu.memory_space<vmem>> -> memref<96xi32, #tpu.memory_space<vmem>>
      %dma_wait3A_33 = arith.constant 0 : i32
      %dma_wait3A_34 = arith.constant 0 : i32
      %dma_wait3A_35 = tpu.memref_slice %arg2[%dma_wait3A_33, %dma_wait3A_34] : memref<10000x128xf32, #tpu.memory_space<hbm>> -> memref<10000x128xf32, #tpu.memory_space<hbm>>
      tpu.wait_indirect_dma semaphore(%arg13 : memref<!tpu.dma_semaphore, #tpu.memory_space<semaphore_mem>>) src(%dma_wait3A_35 : memref<10000x128xf32, #tpu.memory_space<hbm>>) dst(%arg10 : memref<96x128xf32, #tpu.memory_space<vmem>>)
      %add3A_36 = arith.constant 1 : i32
      %add3A_37 = arith.addi %mul3A_15, %add3A_36 : i32
      "tpu.region"() ({
        %run_scoped3A = tpu.sem_alloc : memref<!tpu.dma_semaphore, #tpu.memory_space<semaphore_mem>>
        %dma_start3A_38 = arith.constant 0 : i32
        %dma_start3A_39 = tpu.memref_slice %arg8[%add3A_37, %dma_start3A_38] : memref<106x96xi32, #tpu.memory_space<vmem>> -> memref<1x96xi32, #tpu.memory_space<vmem>>
        %dma_start3A_40 = tpu.memref_squeeze %dma_start3A_39 : memref<1x96xi32, #tpu.memory_space<vmem>> -> memref<96xi32, #tpu.memory_space<vmem>>
        %dma_start3A_41 = arith.constant 0 : i32
        %dma_start3A_42 = arith.constant 0 : i32
        %dma_start3A_43 = tpu.memref_slice %arg11[%dma_start3A_41, %dma_start3A_42] : memref<10240x128xf32, #tpu.memory_space<vmem_shared>> -> memref<10240x128xf32, #tpu.memory_space<vmem_shared>>
        tpu.enqueue_indirect_dma source(%arg10 : memref<96x128xf32, #tpu.memory_space<vmem>>) target(%dma_start3A_43 : memref<10240x128xf32, #tpu.memory_space<vmem_shared>>) offsets(%dma_start3A_40 : memref<96xi32, #tpu.memory_space<vmem>>) semaphore(%run_scoped3A : memref<!tpu.dma_semaphore, #tpu.memory_space<semaphore_mem>>) {add = true}
        %dma_wait3A_44 = arith.constant 0 : i32
        %dma_wait3A_45 = tpu.memref_slice %arg8[%add3A_37, %dma_wait3A_44] : memref<106x96xi32, #tpu.memory_space<vmem>> -> memref<1x96xi32, #tpu.memory_space<vmem>>
        %dma_wait3A_46 = tpu.memref_squeeze %dma_wait3A_45 : memref<1x96xi32, #tpu.memory_space<vmem>> -> memref<96xi32, #tpu.memory_space<vmem>>
        %dma_wait3A_47 = arith.constant 0 : i32
        %dma_wait3A_48 = arith.constant 0 : i32
        %dma_wait3A_49 = tpu.memref_slice %arg11[%dma_wait3A_47, %dma_wait3A_48] : memref<10240x128xf32, #tpu.memory_space<vmem_shared>> -> memref<10240x128xf32, #tpu.memory_space<vmem_shared>>
        tpu.wait_indirect_dma semaphore(%run_scoped3A : memref<!tpu.dma_semaphore, #tpu.memory_space<semaphore_mem>>) src(%arg10 : memref<96x128xf32, #tpu.memory_space<vmem>>) dst(%dma_wait3A_49 : memref<10240x128xf32, #tpu.memory_space<vmem_shared>>)
        tpu.yield
      }) : () -> ()
    }
    %scan3A_7 = arith.constant 53 : i32
    %barrier3A_8 = arith.constant 0 : index
    tpu.barrier barrier_id(%barrier3A_8)
    %mul3A_9 = arith.constant 640 : i32
    %mul3A_10 = arith.muli %arg1, %mul3A_9 : i32
    %mul3A_11 = arith.constant 640 : i32
    %mul3A_12 = arith.muli %arg1, %mul3A_11 : i32
    "tpu.region"() ({
      %run_scoped3A = tpu.sem_alloc : memref<!tpu.dma_semaphore, #tpu.memory_space<semaphore_mem>>
      %dma_start3A = arith.constant 0 : i32
      %dma_start3A_13 = tpu.memref_slice %arg6[%arg0, %mul3A_12, %dma_start3A] : memref<2x10240x128xf32, #tpu.memory_space<hbm>> -> memref<1x640x128xf32, #tpu.memory_space<hbm>>
      %dma_start3A_14 = tpu.memref_squeeze %dma_start3A_13 : memref<1x640x128xf32, #tpu.memory_space<hbm>> -> memref<640x128xf32, #tpu.memory_space<hbm>>
      %dma_start3A_15 = arith.constant 0 : i32
      %dma_start3A_16 = tpu.memref_slice %arg11[%mul3A_10, %dma_start3A_15] : memref<10240x128xf32, #tpu.memory_space<vmem_shared>> -> memref<640x128xf32, #tpu.memory_space<vmem_shared>>
      tpu.enqueue_dma source(%dma_start3A_16 : memref<640x128xf32, #tpu.memory_space<vmem_shared>>) target(%dma_start3A_14 : memref<640x128xf32, #tpu.memory_space<hbm>>) target_semaphore(%run_scoped3A : memref<!tpu.dma_semaphore, #tpu.memory_space<semaphore_mem>>)
      %dma_wait3A = arith.constant 0 : i32
      %dma_wait3A_17 = tpu.memref_slice %arg6[%arg0, %mul3A_12, %dma_wait3A] : memref<2x10240x128xf32, #tpu.memory_space<hbm>> -> memref<1x640x128xf32, #tpu.memory_space<hbm>>
      %dma_wait3A_18 = tpu.memref_squeeze %dma_wait3A_17 : memref<1x640x128xf32, #tpu.memory_space<hbm>> -> memref<640x128xf32, #tpu.memory_space<hbm>>
      %dma_wait3A_19 = arith.constant 0 : i32
      %dma_wait3A_20 = tpu.memref_slice %arg11[%mul3A_10, %dma_wait3A_19] : memref<10240x128xf32, #tpu.memory_space<vmem_shared>> -> memref<640x128xf32, #tpu.memory_space<vmem_shared>>
      tpu.wait_dma2 semaphore(%run_scoped3A : memref<!tpu.dma_semaphore, #tpu.memory_space<semaphore_mem>>) src(%dma_wait3A_20 : memref<640x128xf32, #tpu.memory_space<vmem_shared>>) dst(%dma_wait3A_18 : memref<640x128xf32, #tpu.memory_space<hbm>>)
      tpu.yield
    }) : () -> ()
    return
  }
}

module attributes {stable_mosaic.version = 14 : i64} {
  func.func @_tc1_body(%arg0: i32, %arg1: memref<2000x128xf32, #tpu.memory_space<vmem>>, %arg2: memref<128x128xf32, #tpu.memory_space<vmem>>, %arg3: memref<1x128xf32, #tpu.memory_space<vmem>>, %arg4: memref<2000x1xf32, #tpu.memory_space<vmem>>, %arg5: memref<2000x1xf32, #tpu.memory_space<vmem>>, %arg6: memref<2000x128xf32, #tpu.memory_space<vmem>>, %arg7: memref<2000x1xf32, #tpu.memory_space<vmem>>) attributes {dimension_semantics = [#tpu.dimension_semantics<arbitrary>], iteration_bounds = array<i64: 5>, scalar_prefetch = 0 : i64, scratch_operands = 0 : i64, tpu.core_type = #tpu.core_type<tc>, window_params = [{transform_indices = @transform_0, window_bounds = array<i64: 2000, 128>}, {pipeline_mode = #tpu.pipeline_mode<synchronous>, transform_indices = @transform_1, window_bounds = array<i64: 128, 128>}, {pipeline_mode = #tpu.pipeline_mode<synchronous>, transform_indices = @transform_2, window_bounds = array<i64: 1, 128>}, {transform_indices = @transform_3, window_bounds = array<i64: 2000, 1>}, {transform_indices = @transform_4, window_bounds = array<i64: 2000, 1>}, {transform_indices = @transform_5, window_bounds = array<i64: 2000, 128>}, {transform_indices = @transform_6, window_bounds = array<i64: 2000, 1>}]} {
    %get3A = arith.constant 0 : index
    %get3A_0 = arith.constant 0 : index
    %get3A_1 = vector.load %arg4[%get3A, %get3A_0] : memref<2000x1xf32, #tpu.memory_space<vmem>>, vector<2000x1xf32>
    %get3A_2 = arith.constant 0 : index
    %get3A_3 = arith.constant 0 : index
    %get3A_4 = vector.load %arg5[%get3A_2, %get3A_3] : memref<2000x1xf32, #tpu.memory_space<vmem>>, vector<2000x1xf32>
    %add3A = arith.addf %get3A_1, %get3A_4 : vector<2000x1xf32>
    %add3A_5 = arith.constant 1.000000e+00 : f32
    %add3A_6 = vector.broadcast %add3A_5 : f32 to vector<2000x1xf32>
    %add3A_7 = arith.addf %add3A, %add3A_6 : vector<2000x1xf32>
    %rsqrt3A = math.rsqrt %add3A_7 : vector<2000x1xf32>
    %swap3A = arith.constant 0 : index
    %swap3A_8 = arith.constant 0 : index
    %swap3A_9 = vector.load %arg7[%swap3A, %swap3A_8] : memref<2000x1xf32, #tpu.memory_space<vmem>>, vector<2000x1xf32>
    tpu.vector_store %arg7[%swap3A, %swap3A_8], %rsqrt3A {strides = array<i32>} : memref<2000x1xf32, #tpu.memory_space<vmem>>, vector<2000x1xf32>,
    %get3A_10 = arith.constant 0 : index
    %get3A_11 = arith.constant 0 : index
    %get3A_12 = vector.load %arg1[%get3A_10, %get3A_11] : memref<2000x128xf32, #tpu.memory_space<vmem>>, vector<2000x128xf32>
    %get3A_13 = arith.constant 0 : index
    %get3A_14 = arith.constant 0 : index
    %get3A_15 = vector.load %arg2[%get3A_13, %get3A_14] : memref<128x128xf32, #tpu.memory_space<vmem>>, vector<128x128xf32>
    %dot_general3A = arith.constant dense<0.000000e+00> : vector<2000x128xf32>
    %dot_general3A_16 = tpu.matmul %get3A_12, %get3A_15, %dot_general3A {dimension_numbers = #tpu.dot_dimension_numbers<[1], [0], [0], [1], [0, 0, 1, 1], [], []>, transpose_lhs_hint = false} : vector<2000x128xf32>, vector<128x128xf32>, vector<2000x128xf32> -> vector<2000x128xf32>
    %get3A_17 = arith.constant 0 : index
    %get3A_18 = arith.constant 0 : index
    %get3A_19 = vector.load %arg3[%get3A_17, %get3A_18] : memref<1x128xf32, #tpu.memory_space<vmem>>, vector<1x128xf32>
    %add3A_20 = vector.broadcast %get3A_19 : vector<1x128xf32> to vector<2000x128xf32>
    %add3A_21 = arith.addf %dot_general3A_16, %add3A_20 : vector<2000x128xf32>
    %mul3A = vector.broadcast %rsqrt3A : vector<2000x1xf32> to vector<2000x128xf32>
    %mul3A_22 = arith.mulf %add3A_21, %mul3A : vector<2000x128xf32>
    %swap3A_23 = arith.constant 0 : index
    %swap3A_24 = arith.constant 0 : index
    %swap3A_25 = vector.load %arg6[%swap3A_23, %swap3A_24] : memref<2000x128xf32, #tpu.memory_space<vmem>>, vector<2000x128xf32>
    tpu.vector_store %arg6[%swap3A_23, %swap3A_24], %mul3A_22 {strides = array<i32>} : memref<2000x128xf32, #tpu.memory_space<vmem>>, vector<2000x128xf32>,
    return
  }
  func.func @transform_0(%arg0: i32) -> (i32, i32) {
    %c0_i32 = arith.constant 0 : i32
    %c0_i32_0 = arith.constant 0 : i32
    return %arg0, %c0_i32 : i32, i32
  }
  func.func @transform_1(%arg0: i32) -> (i32, i32) {
    %c0_i32 = arith.constant 0 : i32
    %c0_i32_0 = arith.constant 0 : i32
    %c0_i32_1 = arith.constant 0 : i32
    return %c0_i32, %c0_i32_0 : i32, i32
  }
  func.func @transform_2(%arg0: i32) -> (i32, i32) {
    %c0_i32 = arith.constant 0 : i32
    %c0_i32_0 = arith.constant 0 : i32
    %c0_i32_1 = arith.constant 0 : i32
    return %c0_i32, %c0_i32_0 : i32, i32
  }
  func.func @transform_3(%arg0: i32) -> (i32, i32) {
    %c0_i32 = arith.constant 0 : i32
    %c0_i32_0 = arith.constant 0 : i32
    return %arg0, %c0_i32 : i32, i32
  }
  func.func @transform_4(%arg0: i32) -> (i32, i32) {
    %c0_i32 = arith.constant 0 : i32
    %c0_i32_0 = arith.constant 0 : i32
    return %arg0, %c0_i32 : i32, i32
  }
  func.func @transform_5(%arg0: i32) -> (i32, i32) {
    %c0_i32 = arith.constant 0 : i32
    %c0_i32_0 = arith.constant 0 : i32
    return %arg0, %c0_i32 : i32, i32
  }
  func.func @transform_6(%arg0: i32) -> (i32, i32) {
    %c0_i32 = arith.constant 0 : i32
    %c0_i32_0 = arith.constant 0 : i32
    return %arg0, %c0_i32 : i32, i32
  }
}

module attributes {stable_mosaic.version = 14 : i64} {
  func.func @_tc2_body(%arg0: i32, %arg1: memref<2000x128xf32, #tpu.memory_space<vmem>>, %arg2: memref<2000x128xf32, #tpu.memory_space<vmem>>, %arg3: memref<2000x128xf32, #tpu.memory_space<vmem>>, %arg4: memref<2000x1xf32, #tpu.memory_space<vmem>>, %arg5: memref<128x128xf32, #tpu.memory_space<vmem>>, %arg6: memref<1x128xf32, #tpu.memory_space<vmem>>, %arg7: memref<2000x128xf32, #tpu.memory_space<vmem>>) attributes {dimension_semantics = [#tpu.dimension_semantics<arbitrary>], iteration_bounds = array<i64: 5>, scalar_prefetch = 0 : i64, scratch_operands = 0 : i64, tpu.core_type = #tpu.core_type<tc>, window_params = [{transform_indices = @transform_0, window_bounds = array<i64: 2000, 128>}, {transform_indices = @transform_1, window_bounds = array<i64: 2000, 128>}, {transform_indices = @transform_2, window_bounds = array<i64: 2000, 128>}, {transform_indices = @transform_3, window_bounds = array<i64: 2000, 1>}, {pipeline_mode = #tpu.pipeline_mode<synchronous>, transform_indices = @transform_4, window_bounds = array<i64: 128, 128>}, {pipeline_mode = #tpu.pipeline_mode<synchronous>, transform_indices = @transform_5, window_bounds = array<i64: 1, 128>}, {transform_indices = @transform_6, window_bounds = array<i64: 2000, 128>}]} {
    %get3A = arith.constant 0 : index
    %get3A_0 = arith.constant 0 : index
    %get3A_1 = vector.load %arg4[%get3A, %get3A_0] : memref<2000x1xf32, #tpu.memory_space<vmem>>, vector<2000x1xf32>
    %get3A_2 = arith.constant 0 : index
    %get3A_3 = arith.constant 0 : index
    %get3A_4 = vector.load %arg1[%get3A_2, %get3A_3] : memref<2000x128xf32, #tpu.memory_space<vmem>>, vector<2000x128xf32>
    %get3A_5 = arith.constant 0 : index
    %get3A_6 = arith.constant 0 : index
    %get3A_7 = vector.load %arg2[%get3A_5, %get3A_6] : memref<2000x128xf32, #tpu.memory_space<vmem>>, vector<2000x128xf32>
    %add3A = arith.addf %get3A_4, %get3A_7 : vector<2000x128xf32>
    %get3A_8 = arith.constant 0 : index
    %get3A_9 = arith.constant 0 : index
    %get3A_10 = vector.load %arg3[%get3A_8, %get3A_9] : memref<2000x128xf32, #tpu.memory_space<vmem>>, vector<2000x128xf32>
    %add3A_11 = arith.addf %add3A, %get3A_10 : vector<2000x128xf32>
    %mul3A = vector.broadcast %get3A_1 : vector<2000x1xf32> to vector<2000x128xf32>
    %mul3A_12 = arith.mulf %add3A_11, %mul3A : vector<2000x128xf32>
    %max3A = arith.constant 0.000000e+00 : f32
    %max3A_13 = vector.broadcast %max3A : f32 to vector<2000x128xf32>
    %max3A_14 = arith.maximumf %mul3A_12, %max3A_13 : vector<2000x128xf32>
    %get3A_15 = arith.constant 0 : index
    %get3A_16 = arith.constant 0 : index
    %get3A_17 = vector.load %arg5[%get3A_15, %get3A_16] : memref<128x128xf32, #tpu.memory_space<vmem>>, vector<128x128xf32>
    %dot_general3A = arith.constant dense<0.000000e+00> : vector<2000x128xf32>
    %dot_general3A_18 = tpu.matmul %max3A_14, %get3A_17, %dot_general3A {dimension_numbers = #tpu.dot_dimension_numbers<[1], [0], [0], [1], [0, 0, 1, 1], [], []>, transpose_lhs_hint = false} : vector<2000x128xf32>, vector<128x128xf32>, vector<2000x128xf32> -> vector<2000x128xf32>
    %get3A_19 = arith.constant 0 : index
    %get3A_20 = arith.constant 0 : index
    %get3A_21 = vector.load %arg6[%get3A_19, %get3A_20] : memref<1x128xf32, #tpu.memory_space<vmem>>, vector<1x128xf32>
    %add3A_22 = vector.broadcast %get3A_21 : vector<1x128xf32> to vector<2000x128xf32>
    %add3A_23 = arith.addf %dot_general3A_18, %add3A_22 : vector<2000x128xf32>
    %mul3A_24 = vector.broadcast %get3A_1 : vector<2000x1xf32> to vector<2000x128xf32>
    %mul3A_25 = arith.mulf %add3A_23, %mul3A_24 : vector<2000x128xf32>
    %swap3A = arith.constant 0 : index
    %swap3A_26 = arith.constant 0 : index
    %swap3A_27 = vector.load %arg7[%swap3A, %swap3A_26] : memref<2000x128xf32, #tpu.memory_space<vmem>>, vector<2000x128xf32>
    tpu.vector_store %arg7[%swap3A, %swap3A_26], %mul3A_25 {strides = array<i32>} : memref<2000x128xf32, #tpu.memory_space<vmem>>, vector<2000x128xf32>,
    return
  }
  func.func @transform_0(%arg0: i32) -> (i32, i32) {
    %c0_i32 = arith.constant 0 : i32
    %c0_i32_0 = arith.constant 0 : i32
    return %arg0, %c0_i32 : i32, i32
  }
  func.func @transform_1(%arg0: i32) -> (i32, i32) {
    %c0_i32 = arith.constant 0 : i32
    %c0_i32_0 = arith.constant 0 : i32
    return %arg0, %c0_i32 : i32, i32
  }
  func.func @transform_2(%arg0: i32) -> (i32, i32) {
    %c0_i32 = arith.constant 0 : i32
    %c0_i32_0 = arith.constant 0 : i32
    return %arg0, %c0_i32 : i32, i32
  }
  func.func @transform_3(%arg0: i32) -> (i32, i32) {
    %c0_i32 = arith.constant 0 : i32
    %c0_i32_0 = arith.constant 0 : i32
    return %arg0, %c0_i32 : i32, i32
  }
  func.func @transform_4(%arg0: i32) -> (i32, i32) {
    %c0_i32 = arith.constant 0 : i32
    %c0_i32_0 = arith.constant 0 : i32
    %c0_i32_1 = arith.constant 0 : i32
    return %c0_i32, %c0_i32_0 : i32, i32
  }
  func.func @transform_5(%arg0: i32) -> (i32, i32) {
    %c0_i32 = arith.constant 0 : i32
    %c0_i32_0 = arith.constant 0 : i32
    %c0_i32_1 = arith.constant 0 : i32
    return %c0_i32, %c0_i32_0 : i32, i32
  }
  func.func @transform_6(%arg0: i32) -> (i32, i32) {
    %c0_i32 = arith.constant 0 : i32
    %c0_i32_0 = arith.constant 0 : i32
    return %arg0, %c0_i32 : i32, i32
  }
}

module attributes {stable_mosaic.version = 14 : i64} {
  func.func @_tc3_body(%arg0: i32, %arg1: memref<2000x128xf32, #tpu.memory_space<vmem>>, %arg2: memref<2000x128xf32, #tpu.memory_space<vmem>>, %arg3: memref<2000x128xf32, #tpu.memory_space<vmem>>, %arg4: memref<2000x1xf32, #tpu.memory_space<vmem>>, %arg5: memref<128x128xf32, #tpu.memory_space<vmem>>, %arg6: memref<1x128xf32, #tpu.memory_space<vmem>>, %arg7: memref<128x64xf32, #tpu.memory_space<vmem>>, %arg8: memref<1x64xf32, #tpu.memory_space<vmem>>, %arg9: memref<2000x64xf32, #tpu.memory_space<vmem>>) attributes {dimension_semantics = [#tpu.dimension_semantics<arbitrary>], iteration_bounds = array<i64: 5>, scalar_prefetch = 0 : i64, scratch_operands = 0 : i64, tpu.core_type = #tpu.core_type<tc>, window_params = [{transform_indices = @transform_0, window_bounds = array<i64: 2000, 128>}, {transform_indices = @transform_1, window_bounds = array<i64: 2000, 128>}, {transform_indices = @transform_2, window_bounds = array<i64: 2000, 128>}, {transform_indices = @transform_3, window_bounds = array<i64: 2000, 1>}, {pipeline_mode = #tpu.pipeline_mode<synchronous>, transform_indices = @transform_4, window_bounds = array<i64: 128, 128>}, {pipeline_mode = #tpu.pipeline_mode<synchronous>, transform_indices = @transform_5, window_bounds = array<i64: 1, 128>}, {pipeline_mode = #tpu.pipeline_mode<synchronous>, transform_indices = @transform_6, window_bounds = array<i64: 128, 64>}, {pipeline_mode = #tpu.pipeline_mode<synchronous>, transform_indices = @transform_7, window_bounds = array<i64: 1, 64>}, {transform_indices = @transform_8, window_bounds = array<i64: 2000, 64>}]} {
    %get3A = arith.constant 0 : index
    %get3A_0 = arith.constant 0 : index
    %get3A_1 = vector.load %arg4[%get3A, %get3A_0] : memref<2000x1xf32, #tpu.memory_space<vmem>>, vector<2000x1xf32>
    %get3A_2 = arith.constant 0 : index
    %get3A_3 = arith.constant 0 : index
    %get3A_4 = vector.load %arg1[%get3A_2, %get3A_3] : memref<2000x128xf32, #tpu.memory_space<vmem>>, vector<2000x128xf32>
    %get3A_5 = arith.constant 0 : index
    %get3A_6 = arith.constant 0 : index
    %get3A_7 = vector.load %arg2[%get3A_5, %get3A_6] : memref<2000x128xf32, #tpu.memory_space<vmem>>, vector<2000x128xf32>
    %add3A = arith.addf %get3A_4, %get3A_7 : vector<2000x128xf32>
    %get3A_8 = arith.constant 0 : index
    %get3A_9 = arith.constant 0 : index
    %get3A_10 = vector.load %arg3[%get3A_8, %get3A_9] : memref<2000x128xf32, #tpu.memory_space<vmem>>, vector<2000x128xf32>
    %add3A_11 = arith.addf %add3A, %get3A_10 : vector<2000x128xf32>
    %mul3A = vector.broadcast %get3A_1 : vector<2000x1xf32> to vector<2000x128xf32>
    %mul3A_12 = arith.mulf %add3A_11, %mul3A : vector<2000x128xf32>
    %max3A = arith.constant 0.000000e+00 : f32
    %max3A_13 = vector.broadcast %max3A : f32 to vector<2000x128xf32>
    %max3A_14 = arith.maximumf %mul3A_12, %max3A_13 : vector<2000x128xf32>
    %mul3A_15 = arith.mulf %max3A_14, %max3A_14 : vector<2000x128xf32>
    %reduce_sum3A = arith.constant dense<0.000000e+00> : vector<2000xf32>
    %reduce_sum3A_16 = vector.multi_reduction <add>, %mul3A_15, %reduce_sum3A [1] : vector<2000x128xf32> to vector<2000xf32>
    %broadcast_in_dim3A = vector.shape_cast %reduce_sum3A_16 : vector<2000xf32> to vector<2000x1xf32>
    %sqrt3A = math.sqrt %broadcast_in_dim3A : vector<2000x1xf32>
    %max3A_17 = arith.constant 9.99999996E-13 : f32
    %max3A_18 = vector.broadcast %max3A_17 : f32 to vector<2000x1xf32>
    %max3A_19 = arith.maximumf %sqrt3A, %max3A_18 : vector<2000x1xf32>
    %div3A = vector.broadcast %max3A_19 : vector<2000x1xf32> to vector<2000x128xf32>
    %div3A_20 = arith.divf %max3A_14, %div3A : vector<2000x128xf32>
    %get3A_21 = arith.constant 0 : index
    %get3A_22 = arith.constant 0 : index
    %get3A_23 = vector.load %arg5[%get3A_21, %get3A_22] : memref<128x128xf32, #tpu.memory_space<vmem>>, vector<128x128xf32>
    %dot_general3A = arith.constant dense<0.000000e+00> : vector<2000x128xf32>
    %dot_general3A_24 = tpu.matmul %div3A_20, %get3A_23, %dot_general3A {dimension_numbers = #tpu.dot_dimension_numbers<[1], [0], [0], [1], [0, 0, 1, 1], [], []>, transpose_lhs_hint = false} : vector<2000x128xf32>, vector<128x128xf32>, vector<2000x128xf32> -> vector<2000x128xf32>
    %get3A_25 = arith.constant 0 : index
    %get3A_26 = arith.constant 0 : index
    %get3A_27 = vector.load %arg6[%get3A_25, %get3A_26] : memref<1x128xf32, #tpu.memory_space<vmem>>, vector<1x128xf32>
    %add3A_28 = vector.broadcast %get3A_27 : vector<1x128xf32> to vector<2000x128xf32>
    %add3A_29 = arith.addf %dot_general3A_24, %add3A_28 : vector<2000x128xf32>
    %get3A_30 = arith.constant 0 : index
    %get3A_31 = arith.constant 0 : index
    %get3A_32 = vector.load %arg7[%get3A_30, %get3A_31] : memref<128x64xf32, #tpu.memory_space<vmem>>, vector<128x64xf32>
    %dot_general3A_33 = arith.constant dense<0.000000e+00> : vector<2000x64xf32>
    %dot_general3A_34 = tpu.matmul %add3A_29, %get3A_32, %dot_general3A_33 {dimension_numbers = #tpu.dot_dimension_numbers<[1], [0], [0], [1], [0, 0, 1, 1], [], []>, transpose_lhs_hint = false} : vector<2000x128xf32>, vector<128x64xf32>, vector<2000x64xf32> -> vector<2000x64xf32>
    %get3A_35 = arith.constant 0 : index
    %get3A_36 = arith.constant 0 : index
    %get3A_37 = vector.load %arg8[%get3A_35, %get3A_36] : memref<1x64xf32, #tpu.memory_space<vmem>>, vector<1x64xf32>
    %add3A_38 = vector.broadcast %get3A_37 : vector<1x64xf32> to vector<2000x64xf32>
    %add3A_39 = arith.addf %dot_general3A_34, %add3A_38 : vector<2000x64xf32>
    %reduce_max3A = arith.constant dense<0xFF800000> : vector<2000xf32>
    %reduce_max3A_40 = vector.multi_reduction <maximumf>, %add3A_39, %reduce_max3A [1] : vector<2000x64xf32> to vector<2000xf32>
    %broadcast_in_dim3A_41 = vector.shape_cast %reduce_max3A_40 : vector<2000xf32> to vector<2000x1xf32>
    %sub3A = vector.broadcast %broadcast_in_dim3A_41 : vector<2000x1xf32> to vector<2000x64xf32>
    %sub3A_42 = arith.subf %add3A_39, %sub3A : vector<2000x64xf32>
    %exp3A = math.exp %sub3A_42 : vector<2000x64xf32>
    %reduce_sum3A_43 = arith.constant dense<0.000000e+00> : vector<2000xf32>
    %reduce_sum3A_44 = vector.multi_reduction <add>, %exp3A, %reduce_sum3A_43 [1] : vector<2000x64xf32> to vector<2000xf32>
    %broadcast_in_dim3A_45 = vector.shape_cast %reduce_sum3A_44 : vector<2000xf32> to vector<2000x1xf32>
    %log3A = math.log %broadcast_in_dim3A_45 : vector<2000x1xf32>
    %sub3A_46 = vector.broadcast %log3A : vector<2000x1xf32> to vector<2000x64xf32>
    %sub3A_47 = arith.subf %sub3A_42, %sub3A_46 : vector<2000x64xf32>
    %swap3A = arith.constant 0 : index
    %swap3A_48 = arith.constant 0 : index
    %swap3A_49 = vector.load %arg9[%swap3A, %swap3A_48] : memref<2000x64xf32, #tpu.memory_space<vmem>>, vector<2000x64xf32>
    tpu.vector_store %arg9[%swap3A, %swap3A_48], %sub3A_47 {strides = array<i32>} : memref<2000x64xf32, #tpu.memory_space<vmem>>, vector<2000x64xf32>,
    return
  }
  func.func @transform_0(%arg0: i32) -> (i32, i32) {
    %c0_i32 = arith.constant 0 : i32
    %c0_i32_0 = arith.constant 0 : i32
    return %arg0, %c0_i32 : i32, i32
  }
  func.func @transform_1(%arg0: i32) -> (i32, i32) {
    %c0_i32 = arith.constant 0 : i32
    %c0_i32_0 = arith.constant 0 : i32
    return %arg0, %c0_i32 : i32, i32
  }
  func.func @transform_2(%arg0: i32) -> (i32, i32) {
    %c0_i32 = arith.constant 0 : i32
    %c0_i32_0 = arith.constant 0 : i32
    return %arg0, %c0_i32 : i32, i32
  }
  func.func @transform_3(%arg0: i32) -> (i32, i32) {
    %c0_i32 = arith.constant 0 : i32
    %c0_i32_0 = arith.constant 0 : i32
    return %arg0, %c0_i32 : i32, i32
  }
  func.func @transform_4(%arg0: i32) -> (i32, i32) {
    %c0_i32 = arith.constant 0 : i32
    %c0_i32_0 = arith.constant 0 : i32
    %c0_i32_1 = arith.constant 0 : i32
    return %c0_i32, %c0_i32_0 : i32, i32
  }
  func.func @transform_5(%arg0: i32) -> (i32, i32) {
    %c0_i32 = arith.constant 0 : i32
    %c0_i32_0 = arith.constant 0 : i32
    %c0_i32_1 = arith.constant 0 : i32
    return %c0_i32, %c0_i32_0 : i32, i32
  }
  func.func @transform_6(%arg0: i32) -> (i32, i32) {
    %c0_i32 = arith.constant 0 : i32
    %c0_i32_0 = arith.constant 0 : i32
    %c0_i32_1 = arith.constant 0 : i32
    return %c0_i32, %c0_i32_0 : i32, i32
  }
  func.func @transform_7(%arg0: i32) -> (i32, i32) {
    %c0_i32 = arith.constant 0 : i32
    %c0_i32_0 = arith.constant 0 : i32
    %c0_i32_1 = arith.constant 0 : i32
    return %c0_i32, %c0_i32_0 : i32, i32
  }
  func.func @transform_8(%arg0: i32) -> (i32, i32) {
    %c0_i32 = arith.constant 0 : i32
    %c0_i32_0 = arith.constant 0 : i32
    return %arg0, %c0_i32 : i32, i32
  }
}

</mosaic_0001>

<sc_bundles>
// kernel: kernel.11.cloned.1.call-start
scs
__scs_entry_jumppad:
0x0: {  	(pc) =	sbr.rel $0x88, $3  }
0x1: {  	(tag) =	ssettag $0x0;
	lr =	simm.s32 $0x1  }
0x2: {  	[smem:$0x3F97] =	sst lr;
	_ =	strace $0xD0000000  }
0x3: {  	_ = 	snop  }
0x4: {  	_ = 	snop  }
0x5: {  	_ = 	snop  }
0x6: {  	_ = 	snop  }
0x7: {  	_ = 	snop  }
__scs_overlays_trampoline_lowered:
0x8: {  	[smem:$0x3FA6] =	sst s0  }
0x9: {  	[smem:$0x3FA7] =	sst s1  }
0xa: {  	[smem:$0x3FA8] =	sst s2  }
0xb: {  	[smem:$0x3FA9] =	sst s3  }
0xc: {  	[smem:$0x3FAA] =	sst s4  }
0xd: {  	[smem:$0x3FAB] =	sst s5  }
0xe: {  	[smem:$0x3FAC] =	sst s6  }
0xf: {  	[smem:$0x3FAD] =	sst s7  }
0x10: {  	[smem:$0x3FAE] =	sst s8  }
0x11: {  	[smem:$0x3FAF] =	sst s9;
	s0 =	simm.s32 @!p0 $0x0  }
0x12: {  	s1 =	sld [smem:$0x3F95];
	s0 =	simm.s32 @p0 $0x1  }
0x13: {  	[smem:$0x3FB0] =	sst s0;
	s0 =	simm.s32 @!p1 $0x0  }
0x14: {  	s2 =	sld [smem:$0x3F94];
	s0 =	simm.s32 @p1 $0x1  }
0x15: {  	[smem:$0x3FB1] =	sst s0;
	s0 =	simm.s32 @!p2 $0x0  }
0x16: {  	s3 =	sld [smem:$0x3FDB];
	s0 =	simm.s32 @p2 $0x1  }
0x17: {  	s4 =	simm.s32 $0x1BF5;
	[smem:$0x3FB3] =	sst s0  }
0x18: {  	s0 =	sld [smem:$0x3F96];
	_ =	swait.ge [sflag:s4], $0x0  }
0x19: {  	s7 =	sld [smem:$0x3F97]  }
0x1a: {  	s8 =	sadd.s32 $0xFFFFE003, lr  }
0x1b: {  	s9 =	sadd.s32 $0xFFFFFEF7, lr;
	s5 =	simm.s32 $0xFFFFFFFF;
	p2 =	slt.u32 s8, $0xFFFFF086  }
0x1c: {  	p1 =	slt.u32 s9, $0xF7A;
	s5 =	simm.s32 @!p2 $0x0  }
0x1d: {  	s5 =	simm.s32 @p1 $0x1;
	p0 =	seq.s32 s7, s2  }
0x1e: {  	s7 =	smul.u32 @!p0 $0xF7A, s2;
	p2 =	seq.s32 @!p0 s5, $0x0  }
0x1f: {  	s9 =	smul.u32 $0xF7A, s1;
	s8 =	simm.s32 @!p0 $0x1BF5;
	p2 =	por !p2, p0  }
0x20: {  	[sflag:s8] =	ssyncset.s32 @!p0 $0xFFFFF086;
	s6 =	sadd.s32 @!p0 s3, s7;
	s7 =	simm.s32 @!p0 $0x108  }
0x21: {  	s3 =	sadd.s32 s3, s9;
	s6 =	sadd.s32 @!p0 $0x88, s6;
	s7 =	simm.s32 @p2 $0x1082  }
0x22: {  	[simem:s7], [sflag:s8] =	dma.local @!p0 [hbm:s6], $0xF7A  }
0x23: {  	s9 =	sor.u32 $0xD0000000, s2;
	s6 =	simm.s32 $0x108;
	_ =	swait.ge @!p0 [sflag:s8], $0x0  }
0x24: {  	s3 =	sadd.s32 $0x88, s3;
	s6 =	simm.s32 @!p1 $0x1082;
	[sflag:s4] =	ssyncset.s32 $0xFFFFF086  }
0x25: {  	[simem:s6], [sflag:s4] =	dma.local [hbm:s3], $0xF7A  }
0x26: {  	[smem:$0x3F97] =	sst s1;
	(tag) =	ssettag s2;
	_ =	strace s9  }
0x27: {  	s1 =	sld [smem:$0x3FA7]  }
0x28: {  	s2 =	sld [smem:$0x3FA8]  }
0x29: {  	s4 =	sld [smem:$0x3FAA]  }
0x2a: {  	p0 =	seq.s32 s5, $0x0;
	s5 =	sld [smem:$0x3FAB]  }
0x2b: {  	s6 =	sld [smem:$0x3FAC]  }
0x2c: {  	s7 =	sld [smem:$0x3FAD]  }
0x2d: {  	s3 =	simm.s32 $0x108;
	s8 =	sld [smem:$0x3FAE]  }
0x2e: {  	s3 =	simm.s32 @!p0 $0x1082;
	s9 =	sld [smem:$0x3FAF]  }
0x2f: {  	lr =	sadd.s32 s0, s3;
	s0 =	sld [smem:$0x3FA6]  }
0x30: {  	s3 =	sld [smem:$0x3FA9]  }
0x31: {  	[smem:$0x3FB2] =	sst s10  }
0x32: {  	s10 =	sld [smem:$0x3FB0];
	_ =	sdelay $0x3  }
0x33: {  	p0 =	seq.s32 s10, $0x1;
	s10 =	sld [smem:$0x3FB2];
	_ =	sdelay $0x3  }
0x34: {  	[smem:$0x3FB2] =	sst s10  }
0x35: {  	s10 =	sld [smem:$0x3FB1];
	_ =	sdelay $0x3  }
0x36: {  	p1 =	seq.s32 s10, $0x1;
	s10 =	sld [smem:$0x3FB2];
	_ =	sdelay $0x3  }
0x37: {  	[smem:$0x3FB2] =	sst s10  }
0x38: {  	s10 =	sld [smem:$0x3FB3]  }
0x39: {  	_ = 	snop;
	(pc) =	sbr.ind lr, $3  }
0x3a: {  	_ = 	snop  }
0x3b: {  	_ = 	snop  }
0x3c: {  	p2 =	seq.s32 s10, $0x1;
	s10 =	sld [smem:$0x3FB2]  }
0x3d: {  	_ =	shalt  }
0x3e: {  	_ =	shalt  }
0x3f: {  	_ =	shalt  }
0x40: {  	_ =	shalt  }
0x41: {  	_ =	shalt  }
0x42: {  	_ =	shalt  }
0x43: {  	_ =	shalt  }
0x44: {  	_ =	shalt  }
0x45: {  	_ =	shalt  }
0x46: {  	_ =	shalt  }
0x47: {  	_ =	shalt  }
0x48: {  	_ =	shalt  }
0x49: {  	_ =	shalt  }
0x4a: {  	_ =	shalt  }
0x4b: {  	_ =	shalt  }
0x4c: {  	_ =	shalt  }
0x4d: {  	_ =	shalt  }
0x4e: {  	_ =	shalt  }
0x4f: {  	_ =	shalt  }
0x50: {  	_ =	shalt  }
0x51: {  	_ =	shalt  }
0x52: {  	_ =	shalt  }
0x53: {  	_ =	shalt  }
0x54: {  	_ =	shalt  }
0x55: {  	_ =	shalt  }
0x56: {  	_ =	shalt  }
0x57: {  	_ =	shalt  }
0x58: {  	_ =	shalt  }
0x59: {  	_ =	shalt  }
0x5a: {  	_ =	shalt  }
0x5b: {  	_ =	shalt  }
0x5c: {  	_ =	shalt  }
0x5d: {  	_ =	shalt  }
0x5e: {  	_ =	shalt  }
0x5f: {  	_ =	shalt  }
0x60: {  	_ =	shalt  }
0x61: {  	_ =	shalt  }
0x62: {  	_ =	shalt  }
0x63: {  	_ =	shalt  }
0x64: {  	_ =	shalt  }
0x65: {  	_ =	shalt  }
0x66: {  	_ =	shalt  }
0x67: {  	_ =	shalt  }
0x68: {  	_ =	shalt  }
0x69: {  	_ =	shalt  }
0x6a: {  	_ =	shalt  }
0x6b: {  	_ =	shalt  }
0x6c: {  	_ =	shalt  }
0x6d: {  	_ =	shalt  }
0x6e: {  	_ =	shalt  }
0x6f: {  	_ =	shalt  }
0x70: {  	_ =	shalt  }
0x71: {  	_ =	shalt  }
0x72: {  	_ =	shalt  }
0x73: {  	_ =	shalt  }
0x74: {  	_ =	shalt  }
0x75: {  	_ =	shalt  }
0x76: {  	_ =	shalt  }
0x77: {  	_ =	shalt  }
0x78: {  	_ =	shalt  }
0x79: {  	_ =	shalt  }
0x7a: {  	_ =	shalt  }
0x7b: {  	_ =	shalt  }
0x7c: {  	_ =	shalt  }
0x7d: {  	_ =	shalt  }
0x7e: {  	_ =	shalt  }
0x7f: {  	_ =	shalt  }
0x80: {  	_ =	shalt  }
0x81: {  	_ =	shalt  }
0x82: {  	_ =	shalt  }
0x83: {  	_ =	shalt  }
0x84: {  	_ =	shalt  }
0x85: {  	_ =	shalt  }
0x86: {  	_ =	shalt  }
0x87: {  	_ =	shalt  }
.Lfunc_end0:
.L_simem_size_0:
called_computation.1_lowered:
.L_overlay_start_0:
0x88: {  	s2 =	sld [smem:$0x3FD9]  }
0x89: {  	s3 =	sld [smem:$0x3FFE];
	_ =	sdelay $0x1  }
0x8a: {  	s1 =	srdreg.scid  }
0x8b: {  	s0 =	sand.u32 $0x1, s1  }
0x8c: {  	s17 =	sshll.u32 s0, $0xA;
	s2 =	sadd.s32 s3, s2  }
0x8d: {  	s2 =	sadd.s32 s2, s17  }
0x8e: {  	[smem:$0x3FBE] =	sst s2  }
0x8f: {  	_ = 	snop  }
0x90: {  	s2 =	sld [smem:$0x3FD0];
	(tm) =	ssettm $0x1  }
0x91: {  	s18 =	sld [smem:$0x3FFB];
	_ =	sdelay $0x3  }
0x92: {  	_ =	strace s18  }
0x93: {  	s3 =	sld [smem:$0x3FFC];
	_ =	sdelay $0x3  }
0x94: {  	_ =	strace s3  }
0x95: {  	s3 =	sld [smem:$0x3FFD];
	_ =	sdelay $0x3  }
0x96: {  	_ =	strace s3  }
0x97: {  	_ =	strace $0x8FFFFFFF  }
0x98: {  	s19 =	sld [smem:$0x3FDB];
	_ =	sdelay $0x1  }
0x99: {  	s4 =	simm.s32 $_scs_section_size  }
0x9a: {  	s5 =	simm.s32 $_size__tile_overlayer_lowered;
	s6 =	simm.s32 $_tile_overlayer_lowered  }
0x9b: {  	s22 =	simm.s32 $0x1BFF;
	s21 =	sshll.u32 s6, $0x1;
	s3 =	sadd.s32 s4, s19  }
0x9c: {  	s7 =	simm.s32 $0x0;
	s20 =	sshll.u32 s5, $0x1;
	s5 =	sadd.s32 s21, s3  }
0x9d: {  	[timem:s7], [sflag:s22] =	dma.local [hbm:s5], s20  }
0x9e: {  	_ =	swait.ge [sflag:s22], s20  }
0x9f: {  	s4 =	ssub.s32 $0x0, s20;
	[sflag:s22] =	ssyncset.done $0x0  }
0xa0: {  	[sflag:s22] =	ssyncadd.s32 s4;
	_ =	sdelay $0x1  }
0xa1: {  	s23 =	simm.s32 $0x1B8B  }
0xa2: {  	_ =	swait.ge [sflag:s23], $0x1  }
0xa3: {  	[sflag:s23] =	ssyncset.done $0x0  }
0xa4: {  	s25 =	simm.s32 $0x1B8E;
	s24 =	sld [smem:$0x3FFE];
	[sflag:s23] =	ssyncadd.s32 $0xFFFFFFFF  }
0xa5: {  	s26 =	simm.s32 $execute0_lowered;
	[smem:$0x3FD2] =	sst s25  }
0xa6: {  	s5 =	sshll.u32 s26, $0x1;
	_ =	strace $0x80000049;
	[dreg:$0x1] =	wrdreg $0xFFFFFFFF  }
0xa7: {  	s28 =	simm.s32 $_size_execute0_lowered;
	s3 =	sadd.s32 s3, s5;
	[dreg:$0x0] =	wrdreg $0x0  }
0xa8: {  	s5 =	sshll.u32 s28, $0x1;
	[dreg:$0x2] =	wrdreg s3  }
0xa9: {  	[dreg:$0x3] =	wrdreg s5  }
0xaa: {  	[dreg:$0x4] =	wrdreg $0xC0  }
0xab: {  	_ =	task [dreg:s7], $0x5FFFF  }
0xac: {  	[dreg:$0x1] =	wrdreg $0xFFFFFFFF  }
0xad: {  	[dreg:$0x0] =	wrdreg $0x60  }
0xae: {  	[dreg:$0x2] =	wrdreg s24  }
0xaf: {  	[dreg:$0x3] =	wrdreg s2  }
0xb0: {  	[dreg:$0x4] =	wrdreg $0xC0000  }
0xb1: {  	[dreg:$0x5] =	wrdreg $0x9  }
0xb2: {  	_ =	task.clear_ibuf [dreg:s7], $0x6FFFF;
	_ =	strace $0x90000049  }
0xb3: {  	s29 =	simm.s32 $0x9;
	_ =	strace $0x8000004B  }
0xb4: {  	_ =	swait.ge [sflag:s29], $0x1  }
0xb5: {  	[sflag:s29] =	ssyncadd.s32 $0xFFFFFFFF  }
0xb6: {  	_ =	strace $0x9000004B  }
0xb7: {  	_ =	sfence  }
0xb8: {  	s30 =	sld [smem:$0x0];
	_ =	sdelay $0x2  }
0xb9: {  	s31 =	sshll.u32 s1, $0xD;
	s1 =	sshrl.u32 s1, $0x2  }
0xba: {  	s3 =	sand.u32 $0x4000, s31;
	s1 =	sadd.s32 s1, s30  }
0xbb: {  	s0 =	sor.u32 s3, s0;
	s1 =	sshll.u32 s1, $0x11  }
0xbc: {  	s0 =	sor.u32 s1, s0  }
0xbd: {  	s0 =	sadd.s32 $0x8F2B, s0  }
0xbe: {  	[sflag:s0] =	ssyncadd.remote.s32 $0x1  }
0xbf: {  	_ =	sfence.sel $0xFFFF  }
0xc0: {  	[dreg:$0x0] =	wrdreg $0xFFFFFFFF;
	(pc) =	sbr.abs _section_cstart, $3  }
0xc1: {  	[dreg:$0x1] =	wrdreg $0xFFFFFFFF  }
0xc2: {  	_ =	task.clear_ibuf [dreg:s7], $0x2FFFF;
	_ =	strace $0x9FFFFFFF  }
0xc3: {  	(tm) =	ssettm $0x7FFFFFFF  }
tec
execute0_lowered:
.L_overlay_start_1:
0x0: {  	(tag) =	ssettag $0x1  }
0x1: {  	s7 =	rddreg [dreg:$0x0]  }
0x2: {  	s2 =	rddreg [dreg:$0x1]  }
0x3: {  	s0 =	srdreg.scid;
	s3 =	rddreg [dreg:$0x2]  }
0x4: {  	s15 =	simm.s32 $0x60;
	s16 =	simm.s32 $0x6000;
	s17 =	simm.s32 $0x9000  }
0x5: {  	s18 =	simm.s32 $0x1;
	s19 =	simm.s32 $0x2;
	s6 =	sand.u32 $0x1, s0  }
0x6: {  	s20 =	simm.s32 $0x0;
	s0 =	stileid.u32;
	s29 =	smul.u32 $0x140000, s6  }
0x7: {  	s1 =	sshll.u32 s6, $0x4;
	s4 =	sshll.u32 s0, $0x7;
	s11 =	smul.u32 $0x14000, s0  }
0x8: {  	s6 =	ssub.s32 $0x2, s6;
	s12 =	smul.u32 $0x50000, s0;
	s13 =	sshll.u32 s0, $0x6  }
0x9: {  	s8 =	sor.u32 s0, s1;
	s9 =	sand.u32 $0x380, s4;
	s4 =	simm.s32 $0x0  }
0xa: {  	s30 =	sshrl.u32 s6, $0x1;
	s13 =	sor.u32 $0x1C03, s13;
	s1 =	sshrl.u32 s8, $0x3  }
0xb: {  	[smem:$0x7FF] =	sst s4;
	s8 =	smul.u32 $0x700, s8;
	s31 =	sshrl.u32 s12, $0x2  }
0xc: {  	s12 =	simm.s32 $0x3;
	s5 =	smul.u32 $0x14000, s1;
	s1 =	rddreg [dreg:$0x3]  }
0xd: {  	_ =	strace $0x8000004A;
	s14 =	sadd.s32 s31, s3;
	s8 =	sadd.s32 s8, s7  }
0xe: {  	s14 =	sshrl.u32 s14, $0x3;
	s5 =	sor.u32 s9, s5;
	s9 =	sadd.s32 s11, s29  }
0xf: {  	s11 =	ssub.s32 s6, s30;
	s10 =	sshrl.u32 s5, $0x3;
	s9 =	sshrl.u32 s9, $0x3  }
0x10: {  	s5 =	sadd.s32 $0x1CA00, s7;
	s10 =	sadd.s32 s10, s7;
	s9 =	sadd.s32 s9, s7  }
0x11: {  	s7 =	sadd.s32 $0x4A00, s8;
	s6 =	sadd.s32 $0x12A00, s10;
	s8 =	sadd.s32 $0x6AE00, s9  }
0x12: {  	s9 =	smax.u32 s11, $0x1;
	s10 =	simm.s32 $0x80;
	s11 =	simm.s32 $0x400  }
.LBB2_1:
0x13: {  	[tilespmem:s4], [sflag:$0x3] =	stream.strided.gather [hbm4b:s6+s10], $0x2800, s11, s10, $0x38;
	v63 =	vld [tilespmem:$0x0]  }
0x14: {  	_ =	swait.ge [sflag:s12], $0x2800  }
0x15: {  	[sflag:s12] =	ssyncset.done $0x0  }
0x16: {  	s21 =	simm.s32 $0x2800;
	[sflag:s12] =	ssyncadd.s32 $0xFFFFD800  }
0x17: {  	[tilespmem:s21], [sflag:$0x3] =	stream.linear.gather [hbm4b:s7+s4], $0x3500, $0x38;
	v63 =	vld [tilespmem:$0x0]  }
0x18: {  	_ =	swait.ge [sflag:s12], $0x3500  }
0x19: {  	[sflag:s12] =	ssyncset.done $0x0  }
0x1a: {  	[sflag:s12] =	ssyncadd.s32 $0xFFFFCB00  }
0x1b: {  	[spmem:s14], [sflag:s13] =	dma.local [hbm:s2], $0x2800  }
0x1c: {  	_ =	swait.ge [sflag:s12], $0x2800  }
0x1d: {  	[sflag:s12] =	ssyncset.done $0x0  }
0x1e: {  	[sflag:s12] =	ssyncadd.s32 $0xFFFFD800  }
0x1f: {  	s22 =	simm.s32 $0x0;
	[bflag:$0x0] =	sbarrier.arrive $0xFFFF  }
0x20: {  	[tilespmem:s16], [sflag:$0x1] =	stream.indirect.gather [hbm4b:s5+s15], $0x80, s22, s15, $0xb8;
	v63 =	vld [tilespmem:$0x0]  }
0x21: {  	s30 =	simm.s32 $0x60  }
0x22: {  	[tilespmem:s17], [sflag:$0x2] =	stream.indirect.gather [hbm4b:s5+s15], $0x80, s30, s15, $0xb8;
	v63 =	vld [tilespmem:$0x0]  }
0x23: {  	_ =	swait.ge [sflag:s18], $0x3000  }
0x24: {  	[sflag:s18] =	ssyncset.done $0x0  }
0x25: {  	[sflag:s18] =	ssyncadd.s32 $0xFFFFD000  }
0x26: {  	[spmem:s3] =	stream.indirect.scatter.add.f32 [tilespmem:s16], [sflag:$0x3], $0x80, s21, s15, $0xb8;
	v63 =	vld [tilespmem:$0x0]  }
0x27: {  	_ =	swait.ge [sflag:s12], $0x3000  }
0x28: {  	[sflag:s12] =	ssyncset.done $0x0  }
0x29: {  	[sflag:s12] =	ssyncadd.s32 $0xFFFFD000  }
0x2a: {  	_ =	swait.ge [sflag:s19], $0x3000  }
0x2b: {  	[sflag:s19] =	ssyncset.done $0x0  }
0x2c: {  	s31 =	simm.s32 $0x2880;
	[sflag:s19] =	ssyncadd.s32 $0xFFFFD000  }
0x2d: {  	[spmem:s3] =	stream.indirect.scatter.add.f32 [tilespmem:s17], [sflag:$0x3], $0x80, s31, s15, $0xb8;
	v63 =	vld [tilespmem:$0x0]  }
0x2e: {  	s23 =	simm.s32 $0x600;
	_ =	swait.ge [sflag:s12], $0x3000  }
0x2f: {  	s22 =	simm.s32 $0x300;
	s21 =	simm.s32 $0x2900;
	[sflag:s12] =	ssyncset.done $0x0  }
.LBB2_2:
0x30: {  	s24 =	sshra.s32 s22, $0x2  }
0x31: {  	[sflag:s12] =	ssyncadd.s32 $0xFFFFD000;
	s22 =	smov.u32 s23;
	s25 =	sadd.s32 $0x300, s23  }
0x32: {  	[tilespmem:s16], [sflag:$0x1] =	stream.indirect.gather [hbm4b:s5+s15], $0x80, s24, s15, $0xb8;
	v63 =	vld [tilespmem:$0x0]  }
0x33: {  	p0 =	sne.s32 s23, $0x9C00;
	s23 =	sadd.s32 $0x60, s24  }
0x34: {  	[tilespmem:s17], [sflag:$0x2] =	stream.indirect.gather [hbm4b:s5+s15], $0x80, s23, s15, $0xb8;
	v63 =	vld [tilespmem:$0x0]  }
0x35: {  	_ =	swait.ge [sflag:s18], $0x3000  }
0x36: {  	[sflag:s18] =	ssyncset.done $0x0  }
0x37: {  	[sflag:s18] =	ssyncadd.s32 $0xFFFFD000  }
0x38: {  	[spmem:s3] =	stream.indirect.scatter.add.f32 [tilespmem:s16], [sflag:$0x3], $0x80, s21, s15, $0xb8;
	v63 =	vld [tilespmem:$0x0]  }
0x39: {  	_ =	swait.ge [sflag:s12], $0x3000  }
0x3a: {  	[sflag:s12] =	ssyncset.done $0x0  }
0x3b: {  	[sflag:s12] =	ssyncadd.s32 $0xFFFFD000  }
0x3c: {  	_ =	swait.ge [sflag:s19], $0x3000  }
.Ltmp0:
0x3d: {  	[sflag:s19] =	ssyncset.done $0x0;
	(pc) =	sbr.rel @p0 .LBB2_2-.Ltmp0, $4  }
0x3e: {  	s23 =	sadd.s32 $0x80, s21;
	[sflag:s19] =	ssyncadd.s32 $0xFFFFD000  }
0x3f: {  	[spmem:s3] =	stream.indirect.scatter.add.f32 [tilespmem:s17], [sflag:$0x3], $0x80, s23, s15, $0xb8;
	v63 =	vld [tilespmem:$0x0]  }
0x40: {  	_ =	swait.ge [sflag:s12], $0x3000  }
0x41: {  	s21 =	sadd.s32 $0x100, s21;
	s23 =	smov.u32 s25;
	[sflag:s12] =	ssyncset.done $0x0  }
0x42: {  	s22 =	sshra.s32 s22, $0x2;
	[sflag:s12] =	ssyncadd.s32 $0xFFFFD000  }
0x43: {  	[tilespmem:s16], [sflag:$0x1] =	stream.indirect.gather [hbm4b:s5+s15], $0x80, s22, s15, $0xb8;
	v63 =	vld [tilespmem:$0x0]  }
0x44: {  	s22 =	sadd.s32 $0x60, s22  }
0x45: {  	[tilespmem:s17], [sflag:$0x2] =	stream.indirect.gather [hbm4b:s5+s15], $0x80, s22, s15, $0xb8;
	v63 =	vld [tilespmem:$0x0]  }
0x46: {  	_ =	swait.ge [sflag:s18], $0x3000  }
0x47: {  	[sflag:s18] =	ssyncset.done $0x0  }
0x48: {  	[sflag:s18] =	ssyncadd.s32 $0xFFFFD000  }
0x49: {  	[spmem:s3] =	stream.indirect.scatter.add.f32 [tilespmem:s16], [sflag:$0x3], $0x80, s21, s15, $0xb8;
	v63 =	vld [tilespmem:$0x0]  }
0x4a: {  	_ =	swait.ge [sflag:s12], $0x3000  }
0x4b: {  	[sflag:s12] =	ssyncset.done $0x0  }
0x4c: {  	[sflag:s12] =	ssyncadd.s32 $0xFFFFD000  }
0x4d: {  	_ =	swait.ge [sflag:s19], $0x3000  }
0x4e: {  	[sflag:s19] =	ssyncset.done $0x0  }
0x4f: {  	s31 =	sadd.s32 $0x80, s21;
	[sflag:s19] =	ssyncadd.s32 $0xFFFFD000  }
0x50: {  	[spmem:s3] =	stream.indirect.scatter.add.f32 [tilespmem:s17], [sflag:$0x3], $0x80, s31, s15, $0xb8;
	v63 =	vld [tilespmem:$0x0]  }
0x51: {  	_ =	swait.ge [sflag:s12], $0x3000  }
0x52: {  	s20 =	sadd.s32 $0x1, s20;
	[sflag:s12] =	ssyncset.done $0x0  }
0x53: {  	p0 =	sne.s32 s20, s9;
	[sflag:s12] =	ssyncadd.s32 $0xFFFFD000  }
.Ltmp1:
0x54: {  	[bflag:$0x0] =	sbarrier.arrive $0xFFFF;
	(pc) =	sbr.rel @p0 .LBB2_1-.Ltmp1, $4  }
0x55: {  	[hbm:s8], [sflag:s13] =	dma.local [spmem:s14], $0x2800  }
0x56: {  	_ =	swait.ge [sflag:s12], $0x2800  }
0x57: {  	[sflag:s12] =	ssyncset.done $0x0  }
0x58: {  	[sflag:s12] =	ssyncadd.s32 $0xFFFFD800  }
0x59: {  	_ =	sfence.sel $0x180000  }
0x5a: {  	[bflag:$0x0] =	sbarrier.arrive $0xFFFF  }
0x5b: {  	p0 =	sne.s32 s0, $0x0;
	_ =	strace $0x9000004A  }
0x5c: {  	s0 =	sadd.s32 @!p0 $0x100000, s1;
	[bflag:$0x2] =	sbarrier.arrive $0xFFFF  }
0x5d: {  	[sflag:s0] =	ssyncadd.tile.s32 @!p0 $0x1;
	_ =	shalt  }
.Lfunc_end2:
_tile_overlayer_lowered:
.L_overlay_start_2:
0x5e: {  	(tag) =	ssettag $0x2  }
0x5f: {  	s0 =	rddreg [dreg:$0x0];
	s2 =	stileid.u32  }
0x60: {  	s1 =	rddreg [dreg:$0x1];
	p0 =	sne.s32 s2, $0x0  }
0x61: {  	s3 =	rddreg [dreg:$0x2];
	[bflag:$0x3] =	sbarrier.arrive $0xFFFF;
	s2 =	simm.s32 @!p0 $0x1C03  }
0x62: {  	[timem:s3], [sflag:s2] =	dma.local @!p0 [hbm:s0], s1  }
0x63: {  	s0 =	simm.s32 @!p0 $0x3  }
0x64: {  	_ =	swait.ge @!p0 [sflag:s0], s1  }
0x65: {  	s1 =	ssub.s32 @!p0 $0x0, s1;
	[sflag:s0] =	ssyncset.done @!p0 $0x0  }
0x66: {  	[sflag:s0] =	ssyncadd.s32 @!p0 s1  }
0x67: {  	[bflag:$0x3] =	sbarrier.arrive $0xFFFF  }
0x68: {  	_ =	shalt  }

// kernel: kernel.14.cloned.1.call-start
scs
__scs_entry_jumppad:
0x0: {  	(pc) =	sbr.rel $0x88, $3  }
0x1: {  	(tag) =	ssettag $0x0;
	lr =	simm.s32 $0x1  }
0x2: {  	[smem:$0x3F97] =	sst lr;
	_ =	strace $0xD0000000  }
0x3: {  	_ = 	snop  }
0x4: {  	_ = 	snop  }
0x5: {  	_ = 	snop  }
0x6: {  	_ = 	snop  }
0x7: {  	_ = 	snop  }
__scs_overlays_trampoline_lowered:
0x8: {  	[smem:$0x3FA6] =	sst s0  }
0x9: {  	[smem:$0x3FA7] =	sst s1  }
0xa: {  	[smem:$0x3FA8] =	sst s2  }
0xb: {  	[smem:$0x3FA9] =	sst s3  }
0xc: {  	[smem:$0x3FAA] =	sst s4  }
0xd: {  	[smem:$0x3FAB] =	sst s5  }
0xe: {  	[smem:$0x3FAC] =	sst s6  }
0xf: {  	[smem:$0x3FAD] =	sst s7  }
0x10: {  	[smem:$0x3FAE] =	sst s8  }
0x11: {  	[smem:$0x3FAF] =	sst s9;
	s0 =	simm.s32 @!p0 $0x0  }
0x12: {  	s1 =	sld [smem:$0x3F95];
	s0 =	simm.s32 @p0 $0x1  }
0x13: {  	[smem:$0x3FB0] =	sst s0;
	s0 =	simm.s32 @!p1 $0x0  }
0x14: {  	s2 =	sld [smem:$0x3F94];
	s0 =	simm.s32 @p1 $0x1  }
0x15: {  	[smem:$0x3FB1] =	sst s0;
	s0 =	simm.s32 @!p2 $0x0  }
0x16: {  	s3 =	sld [smem:$0x3FDB];
	s0 =	simm.s32 @p2 $0x1  }
0x17: {  	s4 =	simm.s32 $0x1BF5;
	[smem:$0x3FB3] =	sst s0  }
0x18: {  	s0 =	sld [smem:$0x3F96];
	_ =	swait.ge [sflag:s4], $0x0  }
0x19: {  	s7 =	sld [smem:$0x3F97]  }
0x1a: {  	s8 =	sadd.s32 $0xFFFFE003, lr  }
0x1b: {  	s9 =	sadd.s32 $0xFFFFFEF7, lr;
	s5 =	simm.s32 $0xFFFFFFFF;
	p2 =	slt.u32 s8, $0xFFFFF086  }
0x1c: {  	p1 =	slt.u32 s9, $0xF7A;
	s5 =	simm.s32 @!p2 $0x0  }
0x1d: {  	s5 =	simm.s32 @p1 $0x1;
	p0 =	seq.s32 s7, s2  }
0x1e: {  	s7 =	smul.u32 @!p0 $0xF7A, s2;
	p2 =	seq.s32 @!p0 s5, $0x0  }
0x1f: {  	s9 =	smul.u32 $0xF7A, s1;
	s8 =	simm.s32 @!p0 $0x1BF5;
	p2 =	por !p2, p0  }
0x20: {  	[sflag:s8] =	ssyncset.s32 @!p0 $0xFFFFF086;
	s6 =	sadd.s32 @!p0 s3, s7;
	s7 =	simm.s32 @!p0 $0x108  }
0x21: {  	s3 =	sadd.s32 s3, s9;
	s6 =	sadd.s32 @!p0 $0x88, s6;
	s7 =	simm.s32 @p2 $0x1082  }
0x22: {  	[simem:s7], [sflag:s8] =	dma.local @!p0 [hbm:s6], $0xF7A  }
0x23: {  	s9 =	sor.u32 $0xD0000000, s2;
	s6 =	simm.s32 $0x108;
	_ =	swait.ge @!p0 [sflag:s8], $0x0  }
0x24: {  	s3 =	sadd.s32 $0x88, s3;
	s6 =	simm.s32 @!p1 $0x1082;
	[sflag:s4] =	ssyncset.s32 $0xFFFFF086  }
0x25: {  	[simem:s6], [sflag:s4] =	dma.local [hbm:s3], $0xF7A  }
0x26: {  	[smem:$0x3F97] =	sst s1;
	(tag) =	ssettag s2;
	_ =	strace s9  }
0x27: {  	s1 =	sld [smem:$0x3FA7]  }
0x28: {  	s2 =	sld [smem:$0x3FA8]  }
0x29: {  	s4 =	sld [smem:$0x3FAA]  }
0x2a: {  	p0 =	seq.s32 s5, $0x0;
	s5 =	sld [smem:$0x3FAB]  }
0x2b: {  	s6 =	sld [smem:$0x3FAC]  }
0x2c: {  	s7 =	sld [smem:$0x3FAD]  }
0x2d: {  	s3 =	simm.s32 $0x108;
	s8 =	sld [smem:$0x3FAE]  }
0x2e: {  	s3 =	simm.s32 @!p0 $0x1082;
	s9 =	sld [smem:$0x3FAF]  }
0x2f: {  	lr =	sadd.s32 s0, s3;
	s0 =	sld [smem:$0x3FA6]  }
0x30: {  	s3 =	sld [smem:$0x3FA9]  }
0x31: {  	[smem:$0x3FB2] =	sst s10  }
0x32: {  	s10 =	sld [smem:$0x3FB0];
	_ =	sdelay $0x3  }
0x33: {  	p0 =	seq.s32 s10, $0x1;
	s10 =	sld [smem:$0x3FB2];
	_ =	sdelay $0x3  }
0x34: {  	[smem:$0x3FB2] =	sst s10  }
0x35: {  	s10 =	sld [smem:$0x3FB1];
	_ =	sdelay $0x3  }
0x36: {  	p1 =	seq.s32 s10, $0x1;
	s10 =	sld [smem:$0x3FB2];
	_ =	sdelay $0x3  }
0x37: {  	[smem:$0x3FB2] =	sst s10  }
0x38: {  	s10 =	sld [smem:$0x3FB3]  }
0x39: {  	_ = 	snop;
	(pc) =	sbr.ind lr, $3  }
0x3a: {  	_ = 	snop  }
0x3b: {  	_ = 	snop  }
0x3c: {  	p2 =	seq.s32 s10, $0x1;
	s10 =	sld [smem:$0x3FB2]  }
0x3d: {  	_ =	shalt  }
0x3e: {  	_ =	shalt  }
0x3f: {  	_ =	shalt  }
0x40: {  	_ =	shalt  }
0x41: {  	_ =	shalt  }
0x42: {  	_ =	shalt  }
0x43: {  	_ =	shalt  }
0x44: {  	_ =	shalt  }
0x45: {  	_ =	shalt  }
0x46: {  	_ =	shalt  }
0x47: {  	_ =	shalt  }
0x48: {  	_ =	shalt  }
0x49: {  	_ =	shalt  }
0x4a: {  	_ =	shalt  }
0x4b: {  	_ =	shalt  }
0x4c: {  	_ =	shalt  }
0x4d: {  	_ =	shalt  }
0x4e: {  	_ =	shalt  }
0x4f: {  	_ =	shalt  }
0x50: {  	_ =	shalt  }
0x51: {  	_ =	shalt  }
0x52: {  	_ =	shalt  }
0x53: {  	_ =	shalt  }
0x54: {  	_ =	shalt  }
0x55: {  	_ =	shalt  }
0x56: {  	_ =	shalt  }
0x57: {  	_ =	shalt  }
0x58: {  	_ =	shalt  }
0x59: {  	_ =	shalt  }
0x5a: {  	_ =	shalt  }
0x5b: {  	_ =	shalt  }
0x5c: {  	_ =	shalt  }
0x5d: {  	_ =	shalt  }
0x5e: {  	_ =	shalt  }
0x5f: {  	_ =	shalt  }
0x60: {  	_ =	shalt  }
0x61: {  	_ =	shalt  }
0x62: {  	_ =	shalt  }
0x63: {  	_ =	shalt  }
0x64: {  	_ =	shalt  }
0x65: {  	_ =	shalt  }
0x66: {  	_ =	shalt  }
0x67: {  	_ =	shalt  }
0x68: {  	_ =	shalt  }
0x69: {  	_ =	shalt  }
0x6a: {  	_ =	shalt  }
0x6b: {  	_ =	shalt  }
0x6c: {  	_ =	shalt  }
0x6d: {  	_ =	shalt  }
0x6e: {  	_ =	shalt  }
0x6f: {  	_ =	shalt  }
0x70: {  	_ =	shalt  }
0x71: {  	_ =	shalt  }
0x72: {  	_ =	shalt  }
0x73: {  	_ =	shalt  }
0x74: {  	_ =	shalt  }
0x75: {  	_ =	shalt  }
0x76: {  	_ =	shalt  }
0x77: {  	_ =	shalt  }
0x78: {  	_ =	shalt  }
0x79: {  	_ =	shalt  }
0x7a: {  	_ =	shalt  }
0x7b: {  	_ =	shalt  }
0x7c: {  	_ =	shalt  }
0x7d: {  	_ =	shalt  }
0x7e: {  	_ =	shalt  }
0x7f: {  	_ =	shalt  }
0x80: {  	_ =	shalt  }
0x81: {  	_ =	shalt  }
0x82: {  	_ =	shalt  }
0x83: {  	_ =	shalt  }
0x84: {  	_ =	shalt  }
0x85: {  	_ =	shalt  }
0x86: {  	_ =	shalt  }
0x87: {  	_ =	shalt  }
.Lfunc_end0:
.L_simem_size_0:
called_computation.2_lowered:
.L_overlay_start_0:
0x88: {  	s2 =	sld [smem:$0x3FD9]  }
0x89: {  	s3 =	sld [smem:$0x3FFE];
	_ =	sdelay $0x1  }
0x8a: {  	s1 =	srdreg.scid  }
0x8b: {  	s0 =	sand.u32 $0x1, s1  }
0x8c: {  	s17 =	sshll.u32 s0, $0xA;
	s2 =	sadd.s32 s3, s2  }
0x8d: {  	s2 =	sadd.s32 s2, s17  }
0x8e: {  	[smem:$0x3FBE] =	sst s2  }
0x8f: {  	_ = 	snop  }
0x90: {  	s2 =	sld [smem:$0x3FD0];
	(tm) =	ssettm $0x1  }
0x91: {  	s18 =	sld [smem:$0x3FFB];
	_ =	sdelay $0x3  }
0x92: {  	_ =	strace s18  }
0x93: {  	s3 =	sld [smem:$0x3FFC];
	_ =	sdelay $0x3  }
0x94: {  	_ =	strace s3  }
0x95: {  	s3 =	sld [smem:$0x3FFD];
	_ =	sdelay $0x3  }
0x96: {  	_ =	strace s3  }
0x97: {  	_ =	strace $0x8FFFFFFF  }
0x98: {  	s19 =	sld [smem:$0x3FDB];
	_ =	sdelay $0x1  }
0x99: {  	s4 =	simm.s32 $_scs_section_size  }
0x9a: {  	s5 =	simm.s32 $_size__tile_overlayer_lowered;
	s6 =	simm.s32 $_tile_overlayer_lowered  }
0x9b: {  	s22 =	simm.s32 $0x1BFF;
	s21 =	sshll.u32 s6, $0x1;
	s3 =	sadd.s32 s4, s19  }
0x9c: {  	s7 =	simm.s32 $0x0;
	s20 =	sshll.u32 s5, $0x1;
	s5 =	sadd.s32 s21, s3  }
0x9d: {  	[timem:s7], [sflag:s22] =	dma.local [hbm:s5], s20  }
0x9e: {  	_ =	swait.ge [sflag:s22], s20  }
0x9f: {  	s4 =	ssub.s32 $0x0, s20;
	[sflag:s22] =	ssyncset.done $0x0  }
0xa0: {  	[sflag:s22] =	ssyncadd.s32 s4;
	_ =	sdelay $0x1  }
0xa1: {  	s23 =	simm.s32 $0x1B8B  }
0xa2: {  	_ =	swait.ge [sflag:s23], $0x1  }
0xa3: {  	[sflag:s23] =	ssyncset.done $0x0  }
0xa4: {  	s25 =	simm.s32 $0x1B8E;
	s24 =	sld [smem:$0x3FFE];
	[sflag:s23] =	ssyncadd.s32 $0xFFFFFFFF  }
0xa5: {  	s26 =	simm.s32 $execute0_lowered;
	[smem:$0x3FD2] =	sst s25  }
0xa6: {  	s5 =	sshll.u32 s26, $0x1;
	_ =	strace $0x8000004C;
	[dreg:$0x1] =	wrdreg $0xFFFFFFFF  }
0xa7: {  	s28 =	simm.s32 $_size_execute0_lowered;
	s3 =	sadd.s32 s3, s5;
	[dreg:$0x0] =	wrdreg $0x0  }
0xa8: {  	s5 =	sshll.u32 s28, $0x1;
	[dreg:$0x2] =	wrdreg s3  }
0xa9: {  	[dreg:$0x3] =	wrdreg s5  }
0xaa: {  	[dreg:$0x4] =	wrdreg $0xC0  }
0xab: {  	_ =	task [dreg:s7], $0x5FFFF  }
0xac: {  	[dreg:$0x1] =	wrdreg $0xFFFFFFFF  }
0xad: {  	[dreg:$0x0] =	wrdreg $0x60  }
0xae: {  	[dreg:$0x2] =	wrdreg s24  }
0xaf: {  	[dreg:$0x3] =	wrdreg s2  }
0xb0: {  	[dreg:$0x4] =	wrdreg $0xC0000  }
0xb1: {  	[dreg:$0x5] =	wrdreg $0x9  }
0xb2: {  	_ =	task.clear_ibuf [dreg:s7], $0x6FFFF;
	_ =	strace $0x9000004C  }
0xb3: {  	s29 =	simm.s32 $0x9;
	_ =	strace $0x8000004E  }
0xb4: {  	_ =	swait.ge [sflag:s29], $0x1  }
0xb5: {  	[sflag:s29] =	ssyncadd.s32 $0xFFFFFFFF  }
0xb6: {  	_ =	strace $0x9000004E  }
0xb7: {  	_ =	sfence  }
0xb8: {  	s30 =	sld [smem:$0x0];
	_ =	sdelay $0x2  }
0xb9: {  	s31 =	sshll.u32 s1, $0xD;
	s1 =	sshrl.u32 s1, $0x2  }
0xba: {  	s3 =	sand.u32 $0x4000, s31;
	s1 =	sadd.s32 s1, s30  }
0xbb: {  	s0 =	sor.u32 s3, s0;
	s1 =	sshll.u32 s1, $0x11  }
0xbc: {  	s0 =	sor.u32 s1, s0  }
0xbd: {  	s0 =	sadd.s32 $0x8F2B, s0  }
0xbe: {  	[sflag:s0] =	ssyncadd.remote.s32 $0x1  }
0xbf: {  	_ =	sfence.sel $0xFFFF  }
0xc0: {  	[dreg:$0x0] =	wrdreg $0xFFFFFFFF;
	(pc) =	sbr.abs _section_cstart, $3  }
0xc1: {  	[dreg:$0x1] =	wrdreg $0xFFFFFFFF  }
0xc2: {  	_ =	task.clear_ibuf [dreg:s7], $0x2FFFF;
	_ =	strace $0x9FFFFFFF  }
0xc3: {  	(tm) =	ssettm $0x7FFFFFFF  }
tec
execute0_lowered:
.L_overlay_start_1:
0x0: {  	(tag) =	ssettag $0x1  }
0x1: {  	s7 =	rddreg [dreg:$0x0]  }
0x2: {  	s2 =	rddreg [dreg:$0x1]  }
0x3: {  	s0 =	srdreg.scid;
	s3 =	rddreg [dreg:$0x2]  }
0x4: {  	s15 =	simm.s32 $0x60;
	s16 =	simm.s32 $0x6000;
	s17 =	simm.s32 $0x9000  }
0x5: {  	s18 =	simm.s32 $0x1;
	s19 =	simm.s32 $0x2;
	s6 =	sand.u32 $0x1, s0  }
0x6: {  	s20 =	simm.s32 $0x0;
	s0 =	stileid.u32;
	s29 =	smul.u32 $0x140000, s6  }
0x7: {  	s1 =	sshll.u32 s6, $0x4;
	s4 =	sshll.u32 s0, $0x7;
	s11 =	smul.u32 $0x14000, s0  }
0x8: {  	s6 =	ssub.s32 $0x2, s6;
	s12 =	smul.u32 $0x50000, s0;
	s13 =	sshll.u32 s0, $0x6  }
0x9: {  	s8 =	sor.u32 s0, s1;
	s9 =	sand.u32 $0x380, s4;
	s4 =	simm.s32 $0x0  }
0xa: {  	s30 =	sshrl.u32 s6, $0x1;
	s13 =	sor.u32 $0x1C03, s13;
	s1 =	sshrl.u32 s8, $0x3  }
0xb: {  	[smem:$0x7FF] =	sst s4;
	s8 =	smul.u32 $0x700, s8;
	s31 =	sshrl.u32 s12, $0x2  }
0xc: {  	s12 =	simm.s32 $0x3;
	s5 =	smul.u32 $0x14000, s1;
	s1 =	rddreg [dreg:$0x3]  }
0xd: {  	_ =	strace $0x8000004D;
	s14 =	sadd.s32 s31, s3;
	s8 =	sadd.s32 s8, s7  }
0xe: {  	s14 =	sshrl.u32 s14, $0x3;
	s5 =	sor.u32 s9, s5;
	s9 =	sadd.s32 s11, s29  }
0xf: {  	s11 =	ssub.s32 s6, s30;
	s10 =	sshrl.u32 s5, $0x3;
	s9 =	sshrl.u32 s9, $0x3  }
0x10: {  	s5 =	sadd.s32 $0x1CA00, s7;
	s10 =	sadd.s32 s10, s7;
	s9 =	sadd.s32 s9, s7  }
0x11: {  	s7 =	sadd.s32 $0x4A00, s8;
	s6 =	sadd.s32 $0x12A00, s10;
	s8 =	sadd.s32 $0x6AE00, s9  }
0x12: {  	s9 =	smax.u32 s11, $0x1;
	s10 =	simm.s32 $0x80;
	s11 =	simm.s32 $0x400  }
.LBB2_1:
0x13: {  	[tilespmem:s4], [sflag:$0x3] =	stream.strided.gather [hbm4b:s6+s10], $0x2800, s11, s10, $0x38;
	v63 =	vld [tilespmem:$0x0]  }
0x14: {  	_ =	swait.ge [sflag:s12], $0x2800  }
0x15: {  	[sflag:s12] =	ssyncset.done $0x0  }
0x16: {  	s21 =	simm.s32 $0x2800;
	[sflag:s12] =	ssyncadd.s32 $0xFFFFD800  }
0x17: {  	[tilespmem:s21], [sflag:$0x3] =	stream.linear.gather [hbm4b:s7+s4], $0x3500, $0x38;
	v63 =	vld [tilespmem:$0x0]  }
0x18: {  	_ =	swait.ge [sflag:s12], $0x3500  }
0x19: {  	[sflag:s12] =	ssyncset.done $0x0  }
0x1a: {  	[sflag:s12] =	ssyncadd.s32 $0xFFFFCB00  }
0x1b: {  	[spmem:s14], [sflag:s13] =	dma.local [hbm:s2], $0x2800  }
0x1c: {  	_ =	swait.ge [sflag:s12], $0x2800  }
0x1d: {  	[sflag:s12] =	ssyncset.done $0x0  }
0x1e: {  	[sflag:s12] =	ssyncadd.s32 $0xFFFFD800  }
0x1f: {  	s22 =	simm.s32 $0x0;
	[bflag:$0x0] =	sbarrier.arrive $0xFFFF  }
0x20: {  	[tilespmem:s16], [sflag:$0x1] =	stream.indirect.gather [hbm4b:s5+s15], $0x80, s22, s15, $0xb8;
	v63 =	vld [tilespmem:$0x0]  }
0x21: {  	s30 =	simm.s32 $0x60  }
0x22: {  	[tilespmem:s17], [sflag:$0x2] =	stream.indirect.gather [hbm4b:s5+s15], $0x80, s30, s15, $0xb8;
	v63 =	vld [tilespmem:$0x0]  }
0x23: {  	_ =	swait.ge [sflag:s18], $0x3000  }
0x24: {  	[sflag:s18] =	ssyncset.done $0x0  }
0x25: {  	[sflag:s18] =	ssyncadd.s32 $0xFFFFD000  }
0x26: {  	[spmem:s3] =	stream.indirect.scatter.add.f32 [tilespmem:s16], [sflag:$0x3], $0x80, s21, s15, $0xb8;
	v63 =	vld [tilespmem:$0x0]  }
0x27: {  	_ =	swait.ge [sflag:s12], $0x3000  }
0x28: {  	[sflag:s12] =	ssyncset.done $0x0  }
0x29: {  	[sflag:s12] =	ssyncadd.s32 $0xFFFFD000  }
0x2a: {  	_ =	swait.ge [sflag:s19], $0x3000  }
0x2b: {  	[sflag:s19] =	ssyncset.done $0x0  }
0x2c: {  	s31 =	simm.s32 $0x2880;
	[sflag:s19] =	ssyncadd.s32 $0xFFFFD000  }
0x2d: {  	[spmem:s3] =	stream.indirect.scatter.add.f32 [tilespmem:s17], [sflag:$0x3], $0x80, s31, s15, $0xb8;
	v63 =	vld [tilespmem:$0x0]  }
0x2e: {  	s23 =	simm.s32 $0x600;
	_ =	swait.ge [sflag:s12], $0x3000  }
0x2f: {  	s22 =	simm.s32 $0x300;
	s21 =	simm.s32 $0x2900;
	[sflag:s12] =	ssyncset.done $0x0  }
.LBB2_2:
0x30: {  	s24 =	sshra.s32 s22, $0x2  }
0x31: {  	[sflag:s12] =	ssyncadd.s32 $0xFFFFD000;
	s22 =	smov.u32 s23;
	s25 =	sadd.s32 $0x300, s23  }
0x32: {  	[tilespmem:s16], [sflag:$0x1] =	stream.indirect.gather [hbm4b:s5+s15], $0x80, s24, s15, $0xb8;
	v63 =	vld [tilespmem:$0x0]  }
0x33: {  	p0 =	sne.s32 s23, $0x9C00;
	s23 =	sadd.s32 $0x60, s24  }
0x34: {  	[tilespmem:s17], [sflag:$0x2] =	stream.indirect.gather [hbm4b:s5+s15], $0x80, s23, s15, $0xb8;
	v63 =	vld [tilespmem:$0x0]  }
0x35: {  	_ =	swait.ge [sflag:s18], $0x3000  }
0x36: {  	[sflag:s18] =	ssyncset.done $0x0  }
0x37: {  	[sflag:s18] =	ssyncadd.s32 $0xFFFFD000  }
0x38: {  	[spmem:s3] =	stream.indirect.scatter.add.f32 [tilespmem:s16], [sflag:$0x3], $0x80, s21, s15, $0xb8;
	v63 =	vld [tilespmem:$0x0]  }
0x39: {  	_ =	swait.ge [sflag:s12], $0x3000  }
0x3a: {  	[sflag:s12] =	ssyncset.done $0x0  }
0x3b: {  	[sflag:s12] =	ssyncadd.s32 $0xFFFFD000  }
0x3c: {  	_ =	swait.ge [sflag:s19], $0x3000  }
.Ltmp0:
0x3d: {  	[sflag:s19] =	ssyncset.done $0x0;
	(pc) =	sbr.rel @p0 .LBB2_2-.Ltmp0, $4  }
0x3e: {  	s23 =	sadd.s32 $0x80, s21;
	[sflag:s19] =	ssyncadd.s32 $0xFFFFD000  }
0x3f: {  	[spmem:s3] =	stream.indirect.scatter.add.f32 [tilespmem:s17], [sflag:$0x3], $0x80, s23, s15, $0xb8;
	v63 =	vld [tilespmem:$0x0]  }
0x40: {  	_ =	swait.ge [sflag:s12], $0x3000  }
0x41: {  	s21 =	sadd.s32 $0x100, s21;
	s23 =	smov.u32 s25;
	[sflag:s12] =	ssyncset.done $0x0  }
0x42: {  	s22 =	sshra.s32 s22, $0x2;
	[sflag:s12] =	ssyncadd.s32 $0xFFFFD000  }
0x43: {  	[tilespmem:s16], [sflag:$0x1] =	stream.indirect.gather [hbm4b:s5+s15], $0x80, s22, s15, $0xb8;
	v63 =	vld [tilespmem:$0x0]  }
0x44: {  	s22 =	sadd.s32 $0x60, s22  }
0x45: {  	[tilespmem:s17], [sflag:$0x2] =	stream.indirect.gather [hbm4b:s5+s15], $0x80, s22, s15, $0xb8;
	v63 =	vld [tilespmem:$0x0]  }
0x46: {  	_ =	swait.ge [sflag:s18], $0x3000  }
0x47: {  	[sflag:s18] =	ssyncset.done $0x0  }
0x48: {  	[sflag:s18] =	ssyncadd.s32 $0xFFFFD000  }
0x49: {  	[spmem:s3] =	stream.indirect.scatter.add.f32 [tilespmem:s16], [sflag:$0x3], $0x80, s21, s15, $0xb8;
	v63 =	vld [tilespmem:$0x0]  }
0x4a: {  	_ =	swait.ge [sflag:s12], $0x3000  }
0x4b: {  	[sflag:s12] =	ssyncset.done $0x0  }
0x4c: {  	[sflag:s12] =	ssyncadd.s32 $0xFFFFD000  }
0x4d: {  	_ =	swait.ge [sflag:s19], $0x3000  }
0x4e: {  	[sflag:s19] =	ssyncset.done $0x0  }
0x4f: {  	s31 =	sadd.s32 $0x80, s21;
	[sflag:s19] =	ssyncadd.s32 $0xFFFFD000  }
0x50: {  	[spmem:s3] =	stream.indirect.scatter.add.f32 [tilespmem:s17], [sflag:$0x3], $0x80, s31, s15, $0xb8;
	v63 =	vld [tilespmem:$0x0]  }
0x51: {  	_ =	swait.ge [sflag:s12], $0x3000  }
0x52: {  	s20 =	sadd.s32 $0x1, s20;
	[sflag:s12] =	ssyncset.done $0x0  }
0x53: {  	p0 =	sne.s32 s20, s9;
	[sflag:s12] =	ssyncadd.s32 $0xFFFFD000  }
.Ltmp1:
0x54: {  	[bflag:$0x0] =	sbarrier.arrive $0xFFFF;
	(pc) =	sbr.rel @p0 .LBB2_1-.Ltmp1, $4  }
0x55: {  	[hbm:s8], [sflag:s13] =	dma.local [spmem:s14], $0x2800  }
0x56: {  	_ =	swait.ge [sflag:s12], $0x2800  }
0x57: {  	[sflag:s12] =	ssyncset.done $0x0  }
0x58: {  	[sflag:s12] =	ssyncadd.s32 $0xFFFFD800  }
0x59: {  	_ =	sfence.sel $0x180000  }
0x5a: {  	[bflag:$0x0] =	sbarrier.arrive $0xFFFF  }
0x5b: {  	p0 =	sne.s32 s0, $0x0;
	_ =	strace $0x9000004D  }
0x5c: {  	s0 =	sadd.s32 @!p0 $0x100000, s1;
	[bflag:$0x2] =	sbarrier.arrive $0xFFFF  }
0x5d: {  	[sflag:s0] =	ssyncadd.tile.s32 @!p0 $0x1;
	_ =	shalt  }
.Lfunc_end2:
_tile_overlayer_lowered:
.L_overlay_start_2:
0x5e: {  	(tag) =	ssettag $0x2  }
0x5f: {  	s0 =	rddreg [dreg:$0x0];
	s2 =	stileid.u32  }
0x60: {  	s1 =	rddreg [dreg:$0x1];
	p0 =	sne.s32 s2, $0x0  }
0x61: {  	s3 =	rddreg [dreg:$0x2];
	[bflag:$0x3] =	sbarrier.arrive $0xFFFF;
	s2 =	simm.s32 @!p0 $0x1C03  }
0x62: {  	[timem:s3], [sflag:s2] =	dma.local @!p0 [hbm:s0], s1  }
0x63: {  	s0 =	simm.s32 @!p0 $0x3  }
0x64: {  	_ =	swait.ge @!p0 [sflag:s0], s1  }
0x65: {  	s1 =	ssub.s32 @!p0 $0x0, s1;
	[sflag:s0] =	ssyncset.done @!p0 $0x0  }
0x66: {  	[sflag:s0] =	ssyncadd.s32 @!p0 s1  }
0x67: {  	[bflag:$0x3] =	sbarrier.arrive $0xFFFF  }
0x68: {  	_ =	shalt  }

// kernel: kernel.8.cloned.1.call-start
scs
__scs_entry_jumppad:
0x0: {  	(pc) =	sbr.rel $0x88, $3  }
0x1: {  	(tag) =	ssettag $0x0;
	lr =	simm.s32 $0x1  }
0x2: {  	[smem:$0x3F97] =	sst lr;
	_ =	strace $0xD0000000  }
0x3: {  	_ = 	snop  }
0x4: {  	_ = 	snop  }
0x5: {  	_ = 	snop  }
0x6: {  	_ = 	snop  }
0x7: {  	_ = 	snop  }
__scs_overlays_trampoline_lowered:
0x8: {  	[smem:$0x3FA6] =	sst s0  }
0x9: {  	[smem:$0x3FA7] =	sst s1  }
0xa: {  	[smem:$0x3FA8] =	sst s2  }
0xb: {  	[smem:$0x3FA9] =	sst s3  }
0xc: {  	[smem:$0x3FAA] =	sst s4  }
0xd: {  	[smem:$0x3FAB] =	sst s5  }
0xe: {  	[smem:$0x3FAC] =	sst s6  }
0xf: {  	[smem:$0x3FAD] =	sst s7  }
0x10: {  	[smem:$0x3FAE] =	sst s8  }
0x11: {  	[smem:$0x3FAF] =	sst s9;
	s0 =	simm.s32 @!p0 $0x0  }
0x12: {  	s1 =	sld [smem:$0x3F95];
	s0 =	simm.s32 @p0 $0x1  }
0x13: {  	[smem:$0x3FB0] =	sst s0;
	s0 =	simm.s32 @!p1 $0x0  }
0x14: {  	s2 =	sld [smem:$0x3F94];
	s0 =	simm.s32 @p1 $0x1  }
0x15: {  	[smem:$0x3FB1] =	sst s0;
	s0 =	simm.s32 @!p2 $0x0  }
0x16: {  	s3 =	sld [smem:$0x3FDB];
	s0 =	simm.s32 @p2 $0x1  }
0x17: {  	s4 =	simm.s32 $0x1BF5;
	[smem:$0x3FB3] =	sst s0  }
0x18: {  	s0 =	sld [smem:$0x3F96];
	_ =	swait.ge [sflag:s4], $0x0  }
0x19: {  	s7 =	sld [smem:$0x3F97]  }
0x1a: {  	s8 =	sadd.s32 $0xFFFFE003, lr  }
0x1b: {  	s9 =	sadd.s32 $0xFFFFFEF7, lr;
	s5 =	simm.s32 $0xFFFFFFFF;
	p2 =	slt.u32 s8, $0xFFFFF086  }
0x1c: {  	p1 =	slt.u32 s9, $0xF7A;
	s5 =	simm.s32 @!p2 $0x0  }
0x1d: {  	s5 =	simm.s32 @p1 $0x1;
	p0 =	seq.s32 s7, s2  }
0x1e: {  	s7 =	smul.u32 @!p0 $0xF7A, s2;
	p2 =	seq.s32 @!p0 s5, $0x0  }
0x1f: {  	s9 =	smul.u32 $0xF7A, s1;
	s8 =	simm.s32 @!p0 $0x1BF5;
	p2 =	por !p2, p0  }
0x20: {  	[sflag:s8] =	ssyncset.s32 @!p0 $0xFFFFF086;
	s6 =	sadd.s32 @!p0 s3, s7;
	s7 =	simm.s32 @!p0 $0x108  }
0x21: {  	s3 =	sadd.s32 s3, s9;
	s6 =	sadd.s32 @!p0 $0x88, s6;
	s7 =	simm.s32 @p2 $0x1082  }
0x22: {  	[simem:s7], [sflag:s8] =	dma.local @!p0 [hbm:s6], $0xF7A  }
0x23: {  	s9 =	sor.u32 $0xD0000000, s2;
	s6 =	simm.s32 $0x108;
	_ =	swait.ge @!p0 [sflag:s8], $0x0  }
0x24: {  	s3 =	sadd.s32 $0x88, s3;
	s6 =	simm.s32 @!p1 $0x1082;
	[sflag:s4] =	ssyncset.s32 $0xFFFFF086  }
0x25: {  	[simem:s6], [sflag:s4] =	dma.local [hbm:s3], $0xF7A  }
0x26: {  	[smem:$0x3F97] =	sst s1;
	(tag) =	ssettag s2;
	_ =	strace s9  }
0x27: {  	s1 =	sld [smem:$0x3FA7]  }
0x28: {  	s2 =	sld [smem:$0x3FA8]  }
0x29: {  	s4 =	sld [smem:$0x3FAA]  }
0x2a: {  	p0 =	seq.s32 s5, $0x0;
	s5 =	sld [smem:$0x3FAB]  }
0x2b: {  	s6 =	sld [smem:$0x3FAC]  }
0x2c: {  	s7 =	sld [smem:$0x3FAD]  }
0x2d: {  	s3 =	simm.s32 $0x108;
	s8 =	sld [smem:$0x3FAE]  }
0x2e: {  	s3 =	simm.s32 @!p0 $0x1082;
	s9 =	sld [smem:$0x3FAF]  }
0x2f: {  	lr =	sadd.s32 s0, s3;
	s0 =	sld [smem:$0x3FA6]  }
0x30: {  	s3 =	sld [smem:$0x3FA9]  }
0x31: {  	[smem:$0x3FB2] =	sst s10  }
0x32: {  	s10 =	sld [smem:$0x3FB0];
	_ =	sdelay $0x3  }
0x33: {  	p0 =	seq.s32 s10, $0x1;
	s10 =	sld [smem:$0x3FB2];
	_ =	sdelay $0x3  }
0x34: {  	[smem:$0x3FB2] =	sst s10  }
0x35: {  	s10 =	sld [smem:$0x3FB1];
	_ =	sdelay $0x3  }
0x36: {  	p1 =	seq.s32 s10, $0x1;
	s10 =	sld [smem:$0x3FB2];
	_ =	sdelay $0x3  }
0x37: {  	[smem:$0x3FB2] =	sst s10  }
0x38: {  	s10 =	sld [smem:$0x3FB3]  }
0x39: {  	_ = 	snop;
	(pc) =	sbr.ind lr, $3  }
0x3a: {  	_ = 	snop  }
0x3b: {  	_ = 	snop  }
0x3c: {  	p2 =	seq.s32 s10, $0x1;
	s10 =	sld [smem:$0x3FB2]  }
0x3d: {  	_ =	shalt  }
0x3e: {  	_ =	shalt  }
0x3f: {  	_ =	shalt  }
0x40: {  	_ =	shalt  }
0x41: {  	_ =	shalt  }
0x42: {  	_ =	shalt  }
0x43: {  	_ =	shalt  }
0x44: {  	_ =	shalt  }
0x45: {  	_ =	shalt  }
0x46: {  	_ =	shalt  }
0x47: {  	_ =	shalt  }
0x48: {  	_ =	shalt  }
0x49: {  	_ =	shalt  }
0x4a: {  	_ =	shalt  }
0x4b: {  	_ =	shalt  }
0x4c: {  	_ =	shalt  }
0x4d: {  	_ =	shalt  }
0x4e: {  	_ =	shalt  }
0x4f: {  	_ =	shalt  }
0x50: {  	_ =	shalt  }
0x51: {  	_ =	shalt  }
0x52: {  	_ =	shalt  }
0x53: {  	_ =	shalt  }
0x54: {  	_ =	shalt  }
0x55: {  	_ =	shalt  }
0x56: {  	_ =	shalt  }
0x57: {  	_ =	shalt  }
0x58: {  	_ =	shalt  }
0x59: {  	_ =	shalt  }
0x5a: {  	_ =	shalt  }
0x5b: {  	_ =	shalt  }
0x5c: {  	_ =	shalt  }
0x5d: {  	_ =	shalt  }
0x5e: {  	_ =	shalt  }
0x5f: {  	_ =	shalt  }
0x60: {  	_ =	shalt  }
0x61: {  	_ =	shalt  }
0x62: {  	_ =	shalt  }
0x63: {  	_ =	shalt  }
0x64: {  	_ =	shalt  }
0x65: {  	_ =	shalt  }
0x66: {  	_ =	shalt  }
0x67: {  	_ =	shalt  }
0x68: {  	_ =	shalt  }
0x69: {  	_ =	shalt  }
0x6a: {  	_ =	shalt  }
0x6b: {  	_ =	shalt  }
0x6c: {  	_ =	shalt  }
0x6d: {  	_ =	shalt  }
0x6e: {  	_ =	shalt  }
0x6f: {  	_ =	shalt  }
0x70: {  	_ =	shalt  }
0x71: {  	_ =	shalt  }
0x72: {  	_ =	shalt  }
0x73: {  	_ =	shalt  }
0x74: {  	_ =	shalt  }
0x75: {  	_ =	shalt  }
0x76: {  	_ =	shalt  }
0x77: {  	_ =	shalt  }
0x78: {  	_ =	shalt  }
0x79: {  	_ =	shalt  }
0x7a: {  	_ =	shalt  }
0x7b: {  	_ =	shalt  }
0x7c: {  	_ =	shalt  }
0x7d: {  	_ =	shalt  }
0x7e: {  	_ =	shalt  }
0x7f: {  	_ =	shalt  }
0x80: {  	_ =	shalt  }
0x81: {  	_ =	shalt  }
0x82: {  	_ =	shalt  }
0x83: {  	_ =	shalt  }
0x84: {  	_ =	shalt  }
0x85: {  	_ =	shalt  }
0x86: {  	_ =	shalt  }
0x87: {  	_ =	shalt  }
.Lfunc_end0:
.L_simem_size_0:
called_computation_lowered:
.L_overlay_start_0:
0x88: {  	s2 =	sld [smem:$0x3FD9]  }
0x89: {  	s3 =	sld [smem:$0x3FFE];
	_ =	sdelay $0x1  }
0x8a: {  	s1 =	srdreg.scid  }
0x8b: {  	s0 =	sand.u32 $0x1, s1  }
0x8c: {  	s17 =	sshll.u32 s0, $0xA;
	s2 =	sadd.s32 s3, s2  }
0x8d: {  	s2 =	sadd.s32 s2, s17  }
0x8e: {  	[smem:$0x3FBE] =	sst s2  }
0x8f: {  	_ = 	snop  }
0x90: {  	s2 =	sld [smem:$0x3FD0];
	(tm) =	ssettm $0x1  }
0x91: {  	s18 =	sld [smem:$0x3FFB];
	_ =	sdelay $0x3  }
0x92: {  	_ =	strace s18  }
0x93: {  	s3 =	sld [smem:$0x3FFC];
	_ =	sdelay $0x3  }
0x94: {  	_ =	strace s3  }
0x95: {  	s3 =	sld [smem:$0x3FFD];
	_ =	sdelay $0x3  }
0x96: {  	_ =	strace s3  }
0x97: {  	_ =	strace $0x8FFFFFFF  }
0x98: {  	s19 =	sld [smem:$0x3FDB];
	_ =	sdelay $0x1  }
0x99: {  	s4 =	simm.s32 $_scs_section_size  }
0x9a: {  	s5 =	simm.s32 $_size__tile_overlayer_lowered;
	s6 =	simm.s32 $_tile_overlayer_lowered  }
0x9b: {  	s22 =	simm.s32 $0x1BFF;
	s21 =	sshll.u32 s6, $0x1;
	s3 =	sadd.s32 s4, s19  }
0x9c: {  	s7 =	simm.s32 $0x0;
	s20 =	sshll.u32 s5, $0x1;
	s5 =	sadd.s32 s21, s3  }
0x9d: {  	[timem:s7], [sflag:s22] =	dma.local [hbm:s5], s20  }
0x9e: {  	_ =	swait.ge [sflag:s22], s20  }
0x9f: {  	s4 =	ssub.s32 $0x0, s20;
	[sflag:s22] =	ssyncset.done $0x0  }
0xa0: {  	[sflag:s22] =	ssyncadd.s32 s4;
	_ =	sdelay $0x1  }
0xa1: {  	s23 =	simm.s32 $0x1B8B  }
0xa2: {  	_ =	swait.ge [sflag:s23], $0x1  }
0xa3: {  	[sflag:s23] =	ssyncset.done $0x0  }
0xa4: {  	s25 =	simm.s32 $0x1B8E;
	s24 =	sld [smem:$0x3FFE];
	[sflag:s23] =	ssyncadd.s32 $0xFFFFFFFF  }
0xa5: {  	s26 =	simm.s32 $execute0_lowered;
	[smem:$0x3FD2] =	sst s25  }
0xa6: {  	s5 =	sshll.u32 s26, $0x1;
	_ =	strace $0x80000046;
	[dreg:$0x1] =	wrdreg $0xFFFFFFFF  }
0xa7: {  	s28 =	simm.s32 $_size_execute0_lowered;
	s3 =	sadd.s32 s3, s5;
	[dreg:$0x0] =	wrdreg $0x0  }
0xa8: {  	s5 =	sshll.u32 s28, $0x1;
	[dreg:$0x2] =	wrdreg s3  }
0xa9: {  	[dreg:$0x3] =	wrdreg s5  }
0xaa: {  	[dreg:$0x4] =	wrdreg $0xC0  }
0xab: {  	_ =	task [dreg:s7], $0x5FFFF  }
0xac: {  	[dreg:$0x1] =	wrdreg $0xFFFFFFFF  }
0xad: {  	[dreg:$0x0] =	wrdreg $0x60  }
0xae: {  	[dreg:$0x2] =	wrdreg s2  }
0xaf: {  	[dreg:$0x3] =	wrdreg s24  }
0xb0: {  	[dreg:$0x4] =	wrdreg $0x40800  }
0xb1: {  	[dreg:$0x5] =	wrdreg $0x9  }
0xb2: {  	_ =	task.clear_ibuf [dreg:s7], $0x6FFFF;
	_ =	strace $0x90000046  }
0xb3: {  	s29 =	simm.s32 $0x9;
	_ =	strace $0x80000048  }
0xb4: {  	_ =	swait.ge [sflag:s29], $0x1  }
0xb5: {  	[sflag:s29] =	ssyncadd.s32 $0xFFFFFFFF  }
0xb6: {  	_ =	strace $0x90000048  }
0xb7: {  	_ =	sfence  }
0xb8: {  	s30 =	sld [smem:$0x0];
	_ =	sdelay $0x2  }
0xb9: {  	s31 =	sshll.u32 s1, $0xD;
	s1 =	sshrl.u32 s1, $0x2  }
0xba: {  	s3 =	sand.u32 $0x4000, s31;
	s1 =	sadd.s32 s1, s30  }
0xbb: {  	s0 =	sor.u32 s3, s0;
	s1 =	sshll.u32 s1, $0x11  }
0xbc: {  	s0 =	sor.u32 s1, s0  }
0xbd: {  	s0 =	sadd.s32 $0x8F2B, s0  }
0xbe: {  	[sflag:s0] =	ssyncadd.remote.s32 $0x1  }
0xbf: {  	_ =	sfence.sel $0xFFFF  }
0xc0: {  	[dreg:$0x0] =	wrdreg $0xFFFFFFFF;
	(pc) =	sbr.abs _section_cstart, $3  }
0xc1: {  	[dreg:$0x1] =	wrdreg $0xFFFFFFFF  }
0xc2: {  	_ =	task.clear_ibuf [dreg:s7], $0x2FFFF;
	_ =	strace $0x9FFFFFFF  }
0xc3: {  	(tm) =	ssettm $0x7FFFFFFF  }
tec
execute0_lowered:
.L_overlay_start_1:
0x0: {  	(tag) =	ssettag $0x1  }
0x1: {  	s4 =	rddreg [dreg:$0x0]  }
0x2: {  	s5 =	rddreg [dreg:$0x1]  }
0x3: {  	s1 =	rddreg [dreg:$0x2]  }
0x4: {  	s0 =	rddreg [dreg:$0x3]  }
0x5: {  	s2 =	simm.s32 $0x0;
	s6 =	srdreg.scid;
	s8 =	stileid.u32  }
0x6: {  	s11 =	simm.s32 $0x0;
	[smem:$0x7FF] =	sst s2;
	s3 =	sadd.s32 $0x3A00, s5  }
0x7: {  	s6 =	sand.u32 $0x1, s6;
	s10 =	sshll.u32 s8, $0xB;
	p0 =	sne.s32 s8, $0x0  }
0x8: {  	_ =	strace $0x80000047;
	s7 =	sshll.u32 s6, $0x4;
	s9 =	ssub.s32 $0x2, s6  }
0x9: {  	s6 =	sshll.u32 s6, $0xF;
	s4 =	sadd.s32 s4, s10;
	s8 =	sshrl.u32 @!p0 s1, $0x3  }
0xa: {  	s10 =	simm.s32 $0x4000;
	s5 =	sadd.s32 s7, s5;
	s31 =	sshrl.u32 s9, $0x1  }
0xb: {  	s4 =	sadd.s32 s6, s4;
	s7 =	ssub.s32 s9, s31;
	s5 =	sadd.s32 $0x4000, s5  }
0xc: {  	v0 =	vimm.f32 $1.000000000e+00;
	s9 =	simm.s32 $0x50;
	s6 =	smax.u32 s7, $0x1;
	s7 =	simm.s32 $0x1  }
.LBB2_1:
0xd: {  	[tilespmem:s2], [sflag:$0x1] =	stream.linear.gather [hbm4b:s4+s2], $0x3E80, $0x38;
	[tilespmem:$0x42F8] =	vst v63  }
0xe: {  	_ =	swait.ge [sflag:s7], $0x3E80  }
0xf: {  	[sflag:s7] =	ssyncset.done $0x0  }
0x10: {  	[sflag:s7] =	ssyncadd.s32 $0xFFFFC180  }
0x11: {  	[tilespmem:$0x4000] =	vst v0  }
0x12: {  	[tilespmem:$0x4010] =	vst v0  }
0x13: {  	[tilespmem:$0x4020] =	vst v0  }
0x14: {  	[tilespmem:$0x4030] =	vst v0  }
0x15: {  	s12 =	simm.s32 @!p0 $0x1C01;
	[tilespmem:$0x4040] =	vst v0  }
0x16: {  	[spmem:s8], [sflag:s12] =	dma.local @!p0 [hbm:s3], $0x4F0  }
0x17: {  	s12 =	simm.s32 @!p0 $0x1  }
0x18: {  	_ =	swait.ge @!p0 [sflag:s12], $0x4F0  }
0x19: {  	[sflag:s12] =	ssyncset.done @!p0 $0x0  }
0x1a: {  	[sflag:s12] =	ssyncadd.s32 @!p0 $0xFFFFFB10  }
0x1b: {  	s31 =	simm.s32 $0x0;
	[bflag:$0x0] =	sbarrier.arrive $0xFFFF  }
0x1c: {  	[spmem:s1] =	stream.indirect.scatter.add.f32 [tilespmem:s10], [sflag:$0x1], $0x1, s31, s9, $0xb8;
	[tilespmem:$0x42F8] =	vst v63  }
0x1d: {  	_ =	swait.ge [sflag:s7], $0x50  }
0x1e: {  	s12 =	simm.s32 $0x200;
	[sflag:s7] =	ssyncset.done $0x0  }
.LBB2_2:
0x1f: {  	s13 =	sshra.s32 s12, $0x2;
	[sflag:s7] =	ssyncadd.s32 $0xFFFFFFB0;
	p1 =	sne.s32 s12, $0xF800  }
0x20: {  	[spmem:s1] =	stream.indirect.scatter.add.f32 [tilespmem:s10], [sflag:$0x1], $0x1, s13, s9, $0xb8;
	[tilespmem:$0x42F8] =	vst v63  }
.Ltmp0:
0x21: {  	_ = 	snop;
	(pc) =	sbr.rel @p1 .LBB2_2-.Ltmp0, $4  }
0x22: {  	_ = 	snop  }
0x23: {  	s12 =	sadd.s32 $0x200, s12  }
0x24: {  	_ =	swait.ge [sflag:s7], $0x50  }
0x25: {  	[sflag:s7] =	ssyncset.done $0x0  }
0x26: {  	[sflag:s7] =	ssyncadd.s32 $0xFFFFFFB0;
	s12 =	simm.s32 @!p0 $0x1;
	s11 =	sadd.s32 $0x1, s11  }
0x27: {  	s13 =	simm.s32 @!p0 $0x20;
	s14 =	simm.s32 @!p0 $0x10;
	p1 =	sne.s32 s11, s6  }
.Ltmp1:
0x28: {  	s15 =	simm.s32 @!p0 $0x1C01;
	[bflag:$0x0] =	sbarrier.arrive $0xFFFF;
	(pc) =	sbr.rel @p1 .LBB2_1-.Ltmp1, $4  }
0x29: {  	[hbm:s5@s13], [sflag:s15] =	dma.strided @!p0 [spmem:s8@s14], $0x4F0, s12, $0x10   }
0x2a: {  	_ =	swait.ge @!p0 [sflag:s12], $0x4F0  }
0x2b: {  	[sflag:s12] =	ssyncset.done @!p0 $0x0  }
0x2c: {  	[sflag:s12] =	ssyncadd.s32 @!p0 $0xFFFFFB10  }
0x2d: {  	_ =	sfence.sel $0x180000  }
0x2e: {  	[bflag:$0x0] =	sbarrier.arrive $0xFFFF  }
0x2f: {  	_ =	strace $0x90000047  }
0x30: {  	s0 =	sadd.s32 @!p0 $0x100000, s0;
	[bflag:$0x2] =	sbarrier.arrive $0xFFFF  }
0x31: {  	[sflag:s0] =	ssyncadd.tile.s32 @!p0 $0x1;
	_ =	shalt  }
.Lfunc_end2:
_tile_overlayer_lowered:
.L_overlay_start_2:
0x32: {  	(tag) =	ssettag $0x2  }
0x33: {  	s0 =	rddreg [dreg:$0x0];
	s2 =	stileid.u32  }
0x34: {  	s1 =	rddreg [dreg:$0x1];
	p0 =	sne.s32 s2, $0x0  }
0x35: {  	s3 =	rddreg [dreg:$0x2];
	[bflag:$0x3] =	sbarrier.arrive $0xFFFF;
	s2 =	simm.s32 @!p0 $0x1C01  }
0x36: {  	[timem:s3], [sflag:s2] =	dma.local @!p0 [hbm:s0], s1  }
0x37: {  	s0 =	simm.s32 @!p0 $0x1  }
0x38: {  	_ =	swait.ge @!p0 [sflag:s0], s1  }
0x39: {  	s1 =	ssub.s32 @!p0 $0x0, s1;
	[sflag:s0] =	ssyncset.done @!p0 $0x0  }
0x3a: {  	[sflag:s0] =	ssyncadd.s32 @!p0 s1  }
0x3b: {  	[bflag:$0x3] =	sbarrier.arrive $0xFFFF  }
0x3c: {  	_ =	shalt  }

</sc_bundles>
